<compile_context>
chip_gen: v7x
topology: tpu7x:2x2x1
jax: 0.10.2.dev20260603
libtpu: 0.0.44.dev20260713+nightly
codegen_flags: <defaults>
</compile_context>

<pallas_src>
import functools

import jax
import jax.numpy as jnp
from jax import lax
from jax.experimental import pallas as pl
from jax.experimental.pallas import tpu as pltpu
from jax.experimental.pallas import tpu_sc as plsc

N = 10000
E = 320000
D = 128
SLOPE = 0.01

NC, NS = 2, 16
NW = NC * NS
G = 125
EPW = E // NW
NCHUNK = EPW // G
NPAD = 10240
DEG_SLICE = NPAD // NS
ROWS_PER_TILE = NPAD // NS

_mesh = plsc.VectorSubcoreMesh(core_axis_name="c", subcore_axis_name="s")


@functools.partial(
    pl.kernel,
    out_type=tuple(jax.ShapeDtypeStruct((NPAD,), jnp.float32) for _ in range(2)),
    mesh=_mesh,
    scratch_types=[
        pltpu.VMEM((NCHUNK, G), jnp.int32),
        pltpu.VMEM((128,), jnp.float32),
        pltpu.VMEM((DEG_SLICE,), jnp.float32),
        pltpu.VMEM_SHARED((NPAD,), jnp.float32),
        pltpu.SemaphoreType.DMA,
    ],
)
def _degrees_kernel(e2_hbm, d00_hbm, d10_hbm,
                    src_v, ones_v, buf_v, hout_sh, sa):
    c = lax.axis_index("c")
    s = lax.axis_index("s")
    w = s * NC + c

    def fill_zero(i, carry):
        buf_v[pl.ds(i * 16, 16)] = jnp.zeros((16,), jnp.float32)
        return carry

    lax.fori_loop(0, DEG_SLICE // 16, fill_zero, 0)

    def fill_one(i, carry):
        ones_v[pl.ds(i * 16, 16)] = jnp.ones((16,), jnp.float32)
        return carry

    lax.fori_loop(0, 128 // 16, fill_one, 0)

    sl = pl.ds(s * DEG_SLICE, DEG_SLICE)
    pltpu.sync_copy(buf_v, hout_sh.at[sl])
    pltpu.sync_copy(e2_hbm.at[0, pl.ds(w * NCHUNK, NCHUNK), :], src_v)
    plsc.subcore_barrier()

    ones_sl = ones_v.at[pl.ds(0, G)]

    def body(j, carry):
        @pl.when(j >= 4)
        def _():
            pltpu.make_async_copy(ones_sl, hout_sh.at[src_v.at[0]], sa).wait()

        pltpu.async_copy(ones_sl, hout_sh.at[src_v.at[j]], sa, add=True)
        return carry

    lax.fori_loop(0, NCHUNK, body, 0)
    for _ in range(4):
        pltpu.make_async_copy(ones_sl, hout_sh.at[src_v.at[0]], sa).wait()
    plsc.subcore_barrier()

    @pl.when(c == 0)
    def _():
        pltpu.sync_copy(hout_sh.at[sl], buf_v)
        pltpu.sync_copy(buf_v, d00_hbm.at[sl])

    @pl.when(c == 1)
    def _():
        pltpu.sync_copy(hout_sh.at[sl], buf_v)
        pltpu.sync_copy(buf_v, d10_hbm.at[sl])


@functools.partial(
    pl.kernel,
    out_type=(jax.ShapeDtypeStruct((NC, NPAD, D), jnp.float32),
              jax.ShapeDtypeStruct((NPAD,), jnp.float32),
              jax.ShapeDtypeStruct((NPAD,), jnp.float32)),
    mesh=_mesh,
    scratch_types=[
        pltpu.VMEM((NCHUNK, G), jnp.int32),
        pltpu.VMEM((2, 8, G), jnp.int32),
        tuple(pltpu.VMEM((G, D), jnp.float32) for _ in range(2)),
        pltpu.VMEM((128,), jnp.float32),
        pltpu.VMEM_SHARED((NPAD, D), jnp.float32),
        pltpu.VMEM_SHARED((NPAD,), jnp.float32),
        tuple(pltpu.SemaphoreType.DMA for _ in range(2)),
        tuple(pltpu.SemaphoreType.DMA for _ in range(2)),
        pltpu.SemaphoreType.DMA,
        pltpu.SemaphoreType.DMA,
    ],
)
def _aggregate_kernel(feat_hbm, e2_hbm, agg_hbm, d01_hbm, d11_hbm,
                      src_v, dst_v, rows, ones_v, agg_sh, hin_sh,
                      gsem, ssem, hsem, dsem):
    c = lax.axis_index("c")
    s = lax.axis_index("s")
    w = s * NC + c

    def fill_row(i, carry):
        def fill_col(k, carry2):
            rows[0][i, pl.ds(k * 16, 16)] = jnp.zeros((16,), jnp.float32)
            return carry2

        lax.fori_loop(0, D // 16, fill_col, 0)
        return carry

    lax.fori_loop(0, G, fill_row, 0)

    def fill_one(i, carry):
        ones_v[pl.ds(i * 16, 16)] = jnp.ones((16,), jnp.float32)
        return carry

    lax.fori_loop(0, 128 // 16, fill_one, 0)

    base_row = s * ROWS_PER_TILE
    for r in range(ROWS_PER_TILE // G):
        pltpu.sync_copy(rows[0], agg_sh.at[pl.ds(base_row + r * G, G), :])
    rem = ROWS_PER_TILE % G
    if rem:
        pltpu.sync_copy(rows[0].at[pl.ds(0, rem), :],
                        agg_sh.at[pl.ds(base_row + (ROWS_PER_TILE // G) * G,
                                        rem), :])
    dsl = pl.ds(s * DEG_SLICE, DEG_SLICE)
    pltpu.sync_copy(rows[0].at[0, pl.ds(0, 128)],
                    hin_sh.at[pl.ds(s * DEG_SLICE, 128)])
    for r in range(1, DEG_SLICE // 128):
        pltpu.sync_copy(rows[0].at[0, pl.ds(0, 128)],
                        hin_sh.at[pl.ds(s * DEG_SLICE + r * 128, 128)])

    pltpu.sync_copy(e2_hbm.at[0, pl.ds(w * NCHUNK, NCHUNK), :], src_v)
    pltpu.sync_copy(e2_hbm.at[1, pl.ds(w * NCHUNK, 8), :], dst_v.at[0])
    pltpu.async_copy(e2_hbm.at[1, pl.ds(w * NCHUNK + 8, 8), :], dst_v.at[1],
                     dsem)
    plsc.subcore_barrier()

    ones_sl = ones_v.at[pl.ds(0, G)]
    pltpu.async_copy(feat_hbm.at[src_v.at[0]], rows[0], gsem[0])

    def body(i, carry):
        for b in range(2):
            t = i * 2 + b
            q = t // 8
            pltpu.make_async_copy(feat_hbm.at[src_v.at[0]], rows[b],
                                  gsem[b]).wait()

            @pl.when(t >= 1)
            def _():
                pltpu.make_async_copy(rows[1 - b], agg_sh.at[dst_v.at[0, 0]],
                                      ssem[1 - b]).wait()
                pltpu.make_async_copy(ones_sl, hin_sh.at[dst_v.at[0, 0]],
                                      hsem).wait()

            if b == 0:
                @pl.when(jnp.logical_and(t % 8 == 0, t > 0))
                def _():
                    pltpu.make_async_copy(
                        e2_hbm.at[1, pl.ds(w * NCHUNK, 8), :],
                        dst_v.at[0], dsem).wait()

                    @pl.when(q + 1 < NCHUNK // 8)
                    def _():
                        pltpu.async_copy(
                            e2_hbm.at[1,
                                      pl.ds(w * NCHUNK + (q + 1) * 8, 8), :],
                            dst_v.at[(q + 1) % 2], dsem)

            @pl.when(t + 1 < NCHUNK)
            def _():
                pltpu.async_copy(feat_hbm.at[src_v.at[t + 1]], rows[1 - b],
                                 gsem[1 - b])

            idx = dst_v.at[q % 2, t % 8]
            pltpu.async_copy(rows[b], agg_sh.at[idx], add=True, sem=ssem[b])
            pltpu.async_copy(ones_sl, hin_sh.at[idx], hsem, add=True)
        return carry

    lax.fori_loop(0, NCHUNK // 2, body, 0)
    pltpu.make_async_copy(rows[1], agg_sh.at[dst_v.at[0, 0]], ssem[1]).wait()
    pltpu.make_async_copy(ones_sl, hin_sh.at[dst_v.at[0, 0]], hsem).wait()
    plsc.subcore_barrier()

    sl = pl.ds(base_row, ROWS_PER_TILE)
    pltpu.sync_copy(agg_sh.at[sl, :], agg_hbm.at[c, sl, :])

    @pl.when(c == 0)
    def _():
        pltpu.sync_copy(hin_sh.at[dsl], d01_hbm.at[dsl])

    @pl.when(c == 1)
    def _():
        pltpu.sync_copy(hin_sh.at[dsl], d11_hbm.at[dsl])


RB = 2048
NBLK = NPAD // RB


def _feat_body(d00_ref, d10_ref, v_ref, feat_ref):
    d_out = d00_ref[...] + d10_ref[...]
    rs = lax.rsqrt(jnp.maximum(d_out, 1.0))
    feat_ref[...] = v_ref[...] * rs[:, None]


_feat_call = pl.pallas_call(
    _feat_body,
    grid=(NBLK,),
    in_specs=[
        pl.BlockSpec((RB,), lambda i: (i,)),
        pl.BlockSpec((RB,), lambda i: (i,)),
        pl.BlockSpec((RB, D), lambda i: (i, 0)),
    ],
    out_specs=pl.BlockSpec((RB, D), lambda i: (i, 0)),
    out_shape=jax.ShapeDtypeStruct((N, D), jnp.float32),
)


def _out_body(aggp_ref, d01_ref, d11_ref, v_ref, w_ref, b_ref, out_ref):
    agg = aggp_ref[0] + aggp_ref[1]
    d_in = d01_ref[...] + d11_ref[...]
    rs = lax.rsqrt(jnp.maximum(d_in, 1.0))
    rst = agg * rs[:, None]
    rst = jnp.dot(rst, w_ref[...], preferred_element_type=jnp.float32)
    rst = rst + b_ref[...]
    out_ref[...] = jnp.where(rst > 0, rst, SLOPE * rst) + v_ref[...]


_out_call = pl.pallas_call(
    _out_body,
    grid=(NBLK,),
    in_specs=[
        pl.BlockSpec((NC, RB, D), lambda i: (0, i, 0)),
        pl.BlockSpec((RB,), lambda i: (i,)),
        pl.BlockSpec((RB,), lambda i: (i,)),
        pl.BlockSpec((RB, D), lambda i: (i, 0)),
        pl.BlockSpec((D, D), lambda i: (0, 0)),
        pl.BlockSpec((1, D), lambda i: (0, 0)),
    ],
    out_specs=pl.BlockSpec((RB, D), lambda i: (i, 0)),
    out_shape=jax.ShapeDtypeStruct((N, D), jnp.float32),
)


def kernel(V, edge_index, W, b):
    e2 = edge_index.reshape(2, E // G, G)
    d00, d10 = _degrees_kernel(e2)
    feat = _feat_call(d00, d10, V)
    aggp, d01, d11 = _aggregate_kernel(feat, e2)
    return _out_call(aggp, d01, d11, V, W, b.reshape(1, D))

# --- scband reference (transcript-rebuilt; emitter-appended) ---
"""Pipeline reference for scband-gnncell-74947179316229 (READ-ONLY COPY).

The authoritative reference and input builder live on the scoring server;
editing this copy changes nothing except your own understanding.
"""

import jax, jax.numpy as jnp
import numpy as np

N, E, D = 10000, 320000, 128
LEAKY_SLOPE = 0.01


def setup_inputs(seed: int = 0) -> dict:
    key = jax.random.key(seed)
    k1, k2, k3 = jax.random.split(key, 3)
    V = jax.random.normal(k1, (N, D), dtype=jnp.float32)
    edge_index = jax.random.randint(k2, (2, E), 0, N, dtype=jnp.int32)
    W = jax.random.normal(k3, (D, D), dtype=jnp.float32) * (1.0 / np.sqrt(D))
    b = jnp.zeros((D,), dtype=jnp.float32)
    return {"V": V, "edge_index": edge_index, "W": W, "b": b}


def reference(V, edge_index, W, b):
    # GNNCell.forward (eval mode): dropout is identity (p=0.0 / training=False),
    # GraphConv(norm='both') -> LeakyReLU -> residual (i != 0). batchnorm_op=False.
    src = edge_index[0]
    dst = edge_index[1]
    n = V.shape[0]
    ones_e = jnp.ones((src.shape[0],), dtype=jnp.float32)
    deg_out = jnp.zeros((n,), dtype=jnp.float32).at[src].add(ones_e)
    deg_in = jnp.zeros((n,), dtype=jnp.float32).at[dst].add(ones_e)
    deg_out = jnp.maximum(deg_out, 1.0)
    deg_in = jnp.maximum(deg_in, 1.0)
    # DGL GraphConv norm='both': scale by D_src^{-1/2}, aggregate-sum, scale by D_dst^{-1/2}
    feat = V * jax.lax.rsqrt(deg_out)[:, None]
    msg = jnp.take(feat, src, axis=0)
    agg = jnp.zeros_like(V).at[dst].add(msg)
    rst = agg * jax.lax.rsqrt(deg_in)[:, None]
    # in_feats == out_feats -> aggregate first, then linear (DGL path: in_feats <= out_feats)
    rst = rst @ W + b
    act = jnp.where(rst > 0, rst, LEAKY_SLOPE * rst)
    return act + V

if __name__ == "__main__":
    import jax
    _d = setup_inputs()
    print(jax.jit(kernel)(*tuple(_d.values())))

</pallas_src>

<mosaic_0001>
#map = affine_map<(d0, d1) -> (0, 0)>
#map1 = affine_map<(d0, d1) -> (0, 0, 0)>
#map2 = affine_map<(d0, d1) -> (0)>
module attributes {stable_mosaic.version = 14 : i64} {
  func.func @_aggregate_kernel(%arg0: i32, %arg1: i32, %arg2: memref<10000x128xf32, #tpu.memory_space<hbm>>, %arg3: memref<2x2560x125xi32, #tpu.memory_space<hbm>>, %arg4: memref<2x10240x128xf32, #tpu.memory_space<hbm>>, %arg5: memref<10240xf32, #tpu.memory_space<hbm>>, %arg6: memref<10240xf32, #tpu.memory_space<hbm>>, %arg7: memref<80x125xi32, #tpu.memory_space<vmem>>, %arg8: memref<2x8x125xi32, #tpu.memory_space<vmem>>, %arg9: memref<125x128xf32, #tpu.memory_space<vmem>>, %arg10: memref<125x128xf32, #tpu.memory_space<vmem>>, %arg11: memref<128xf32, #tpu.memory_space<vmem>>, %arg12: memref<10240x128xf32, #tpu.memory_space<vmem_shared>>, %arg13: memref<10240xf32, #tpu.memory_space<vmem_shared>>, %arg14: memref<!tpu.dma_semaphore, #tpu.memory_space<semaphore_mem>>, %arg15: memref<!tpu.dma_semaphore, #tpu.memory_space<semaphore_mem>>, %arg16: memref<!tpu.dma_semaphore, #tpu.memory_space<semaphore_mem>>, %arg17: memref<!tpu.dma_semaphore, #tpu.memory_space<semaphore_mem>>, %arg18: memref<!tpu.dma_semaphore, #tpu.memory_space<semaphore_mem>>, %arg19: memref<!tpu.dma_semaphore, #tpu.memory_space<semaphore_mem>>) attributes {dimension_semantics = [#tpu.dimension_semantics<core_parallel>, #tpu.dimension_semantics<subcore_parallel>], iteration_bounds = array<i64: 2, 16>, scalar_prefetch = 0 : i64, scratch_operands = 13 : i64, tpu.core_type = #tpu.core_type<sc_vector_subcore>, window_params = [{transform_indices = #map}, {transform_indices = #map1}, {transform_indices = #map1}, {transform_indices = #map2}, {transform_indices = #map2}]} {
    %mul3A = arith.constant 2 : i32
    %mul3A_0 = arith.muli %arg1, %mul3A : i32
    %add3A = arith.addi %mul3A_0, %arg0 : i32
    %scan3A = arith.constant 0 : i32
    %scan3A_1 = arith.constant 0 : i32
    %scan3A_2 = arith.constant 125 : i32
    %scan3A_3 = arith.addi %scan3A_1, %scan3A_2 : i32
    %scan3A_4 = arith.constant 1 : i32
    scf.for %scan3A_113 = %scan3A_1 to %scan3A_3 step %scan3A_4  : i32 {
      %scan3A_114 = arith.constant 0 : i32
      %scan3A_115 = arith.constant 0 : i32
      %scan3A_116 = arith.constant 8 : i32
      %scan3A_117 = arith.addi %scan3A_115, %scan3A_116 : i32
      %scan3A_118 = arith.constant 1 : i32
      scf.for %scan3A_120 = %scan3A_115 to %scan3A_117 step %scan3A_118  : i32 {
        %broadcast_in_dim3A = arith.constant 0.000000e+00 : f32
        %broadcast_in_dim3A_121 = vector.broadcast %broadcast_in_dim3A : f32 to vector<16xf32>
        %mul3A_122 = arith.constant 16 : i32
        %mul3A_123 = arith.muli %scan3A_120, %mul3A_122 : i32
        %swap3A = arith.index_cast %scan3A_113 : i32 to index
        %swap3A_124 = arith.index_cast %mul3A_123 : i32 to index
        %swap3A_125 = tpu.vector_load %arg9[%swap3A, %swap3A_124] {strides = array<i32>} : memref<125x128xf32, #tpu.memory_space<vmem>>, vector<1x16xf32>,
        %swap3A_126 = vector.shape_cast %swap3A_125 : vector<1x16xf32> to vector<16xf32>
        %swap3A_127 = vector.shape_cast %broadcast_in_dim3A_121 : vector<16xf32> to vector<1x16xf32>
        tpu.vector_store %arg9[%swap3A, %swap3A_124], %swap3A_127 {strides = array<i32>} : memref<125x128xf32, #tpu.memory_space<vmem>>, vector<1x16xf32>,
      }
      %scan3A_119 = arith.constant 8 : i32
    }
    %scan3A_5 = arith.constant 125 : i32
    %scan3A_6 = arith.constant 0 : i32
    %scan3A_7 = arith.constant 0 : i32
    %scan3A_8 = arith.constant 8 : i32
    %scan3A_9 = arith.addi %scan3A_7, %scan3A_8 : i32
    %scan3A_10 = arith.constant 1 : i32
    scf.for %scan3A_113 = %scan3A_7 to %scan3A_9 step %scan3A_10  : i32 {
      %broadcast_in_dim3A = arith.constant 1.000000e+00 : f32
      %broadcast_in_dim3A_114 = vector.broadcast %broadcast_in_dim3A : f32 to vector<16xf32>
      %mul3A_115 = arith.constant 16 : i32
      %mul3A_116 = arith.muli %scan3A_113, %mul3A_115 : i32
      %swap3A = arith.index_cast %mul3A_116 : i32 to index
      %swap3A_117 = tpu.vector_load %arg11[%swap3A] {strides = array<i32>} : memref<128xf32, #tpu.memory_space<vmem>>, vector<16xf32>,
      %swap3A_118 = vector.shape_cast %swap3A_117 : vector<16xf32> to vector<16xf32>
      %swap3A_119 = vector.shape_cast %broadcast_in_dim3A_114 : vector<16xf32> to vector<16xf32>
      tpu.vector_store %arg11[%swap3A], %swap3A_119 {strides = array<i32>} : memref<128xf32, #tpu.memory_space<vmem>>, vector<16xf32>,
    }
    %scan3A_11 = arith.constant 8 : i32
    %mul3A_12 = arith.constant 640 : i32
    %mul3A_13 = arith.muli %arg1, %mul3A_12 : i32
    %add3A_14 = arith.constant 0 : i32
    %add3A_15 = arith.addi %mul3A_13, %add3A_14 : i32
    "tpu.region"() ({
      %run_scoped3A_113 = tpu.sem_alloc : memref<!tpu.dma_semaphore, #tpu.memory_space<semaphore_mem>>
      %dma_start3A_114 = arith.constant 0 : i32
      %dma_start3A_115 = tpu.memref_slice %arg12[%add3A_15, %dma_start3A_114] : memref<10240x128xf32, #tpu.memory_space<vmem_shared>> -> memref<125x128xf32, #tpu.memory_space<vmem_shared>>
      %dma_start3A_116 = arith.constant 0 : i32
      %dma_start3A_117 = tpu.memref_slice %arg12[%add3A_15, %dma_start3A_116] : memref<10240x128xf32, #tpu.memory_space<vmem_shared>> -> memref<125x128xf32, #tpu.memory_space<vmem_shared>>
      tpu.enqueue_dma source(%arg9 : memref<125x128xf32, #tpu.memory_space<vmem>>) target(%dma_start3A_117 : memref<125x128xf32, #tpu.memory_space<vmem_shared>>) target_semaphore(%run_scoped3A_113 : memref<!tpu.dma_semaphore, #tpu.memory_space<semaphore_mem>>)
      %dma_wait3A_118 = arith.constant 0 : i32
      %dma_wait3A_119 = tpu.memref_slice %arg12[%add3A_15, %dma_wait3A_118] : memref<10240x128xf32, #tpu.memory_space<vmem_shared>> -> memref<125x128xf32, #tpu.memory_space<vmem_shared>>
      %dma_wait3A_120 = arith.constant 0 : i32
      %dma_wait3A_121 = tpu.memref_slice %arg12[%add3A_15, %dma_wait3A_120] : memref<10240x128xf32, #tpu.memory_space<vmem_shared>> -> memref<125x128xf32, #tpu.memory_space<vmem_shared>>
      tpu.wait_dma2 semaphore(%run_scoped3A_113 : memref<!tpu.dma_semaphore, #tpu.memory_space<semaphore_mem>>) src(%arg9 : memref<125x128xf32, #tpu.memory_space<vmem>>) dst(%dma_wait3A_121 : memref<125x128xf32, #tpu.memory_space<vmem_shared>>)
      tpu.yield
    }) : () -> ()
    %add3A_16 = arith.constant 125 : i32
    %add3A_17 = arith.addi %mul3A_13, %add3A_16 : i32
    "tpu.region"() ({
      %run_scoped3A_113 = tpu.sem_alloc : memref<!tpu.dma_semaphore, #tpu.memory_space<semaphore_mem>>
      %dma_start3A_114 = arith.constant 0 : i32
      %dma_start3A_115 = tpu.memref_slice %arg12[%add3A_17, %dma_start3A_114] : memref<10240x128xf32, #tpu.memory_space<vmem_shared>> -> memref<125x128xf32, #tpu.memory_space<vmem_shared>>
      %dma_start3A_116 = arith.constant 0 : i32
      %dma_start3A_117 = tpu.memref_slice %arg12[%add3A_17, %dma_start3A_116] : memref<10240x128xf32, #tpu.memory_space<vmem_shared>> -> memref<125x128xf32, #tpu.memory_space<vmem_shared>>
      tpu.enqueue_dma source(%arg9 : memref<125x128xf32, #tpu.memory_space<vmem>>) target(%dma_start3A_117 : memref<125x128xf32, #tpu.memory_space<vmem_shared>>) target_semaphore(%run_scoped3A_113 : memref<!tpu.dma_semaphore, #tpu.memory_space<semaphore_mem>>)
      %dma_wait3A_118 = arith.constant 0 : i32
      %dma_wait3A_119 = tpu.memref_slice %arg12[%add3A_17, %dma_wait3A_118] : memref<10240x128xf32, #tpu.memory_space<vmem_shared>> -> memref<125x128xf32, #tpu.memory_space<vmem_shared>>
      %dma_wait3A_120 = arith.constant 0 : i32
      %dma_wait3A_121 = tpu.memref_slice %arg12[%add3A_17, %dma_wait3A_120] : memref<10240x128xf32, #tpu.memory_space<vmem_shared>> -> memref<125x128xf32, #tpu.memory_space<vmem_shared>>
      tpu.wait_dma2 semaphore(%run_scoped3A_113 : memref<!tpu.dma_semaphore, #tpu.memory_space<semaphore_mem>>) src(%arg9 : memref<125x128xf32, #tpu.memory_space<vmem>>) dst(%dma_wait3A_121 : memref<125x128xf32, #tpu.memory_space<vmem_shared>>)
      tpu.yield
    }) : () -> ()
    %add3A_18 = arith.constant 250 : i32
    %add3A_19 = arith.addi %mul3A_13, %add3A_18 : i32
    "tpu.region"() ({
      %run_scoped3A_113 = tpu.sem_alloc : memref<!tpu.dma_semaphore, #tpu.memory_space<semaphore_mem>>
      %dma_start3A_114 = arith.constant 0 : i32
      %dma_start3A_115 = tpu.memref_slice %arg12[%add3A_19, %dma_start3A_114] : memref<10240x128xf32, #tpu.memory_space<vmem_shared>> -> memref<125x128xf32, #tpu.memory_space<vmem_shared>>
      %dma_start3A_116 = arith.constant 0 : i32
      %dma_start3A_117 = tpu.memref_slice %arg12[%add3A_19, %dma_start3A_116] : memref<10240x128xf32, #tpu.memory_space<vmem_shared>> -> memref<125x128xf32, #tpu.memory_space<vmem_shared>>
      tpu.enqueue_dma source(%arg9 : memref<125x128xf32, #tpu.memory_space<vmem>>) target(%dma_start3A_117 : memref<125x128xf32, #tpu.memory_space<vmem_shared>>) target_semaphore(%run_scoped3A_113 : memref<!tpu.dma_semaphore, #tpu.memory_space<semaphore_mem>>)
      %dma_wait3A_118 = arith.constant 0 : i32
      %dma_wait3A_119 = tpu.memref_slice %arg12[%add3A_19, %dma_wait3A_118] : memref<10240x128xf32, #tpu.memory_space<vmem_shared>> -> memref<125x128xf32, #tpu.memory_space<vmem_shared>>
      %dma_wait3A_120 = arith.constant 0 : i32
      %dma_wait3A_121 = tpu.memref_slice %arg12[%add3A_19, %dma_wait3A_120] : memref<10240x128xf32, #tpu.memory_space<vmem_shared>> -> memref<125x128xf32, #tpu.memory_space<vmem_shared>>
      tpu.wait_dma2 semaphore(%run_scoped3A_113 : memref<!tpu.dma_semaphore, #tpu.memory_space<semaphore_mem>>) src(%arg9 : memref<125x128xf32, #tpu.memory_space<vmem>>) dst(%dma_wait3A_121 : memref<125x128xf32, #tpu.memory_space<vmem_shared>>)
      tpu.yield
    }) : () -> ()
    %add3A_20 = arith.constant 375 : i32
    %add3A_21 = arith.addi %mul3A_13, %add3A_20 : i32
    "tpu.region"() ({
      %run_scoped3A_113 = tpu.sem_alloc : memref<!tpu.dma_semaphore, #tpu.memory_space<semaphore_mem>>
      %dma_start3A_114 = arith.constant 0 : i32
      %dma_start3A_115 = tpu.memref_slice %arg12[%add3A_21, %dma_start3A_114] : memref<10240x128xf32, #tpu.memory_space<vmem_shared>> -> memref<125x128xf32, #tpu.memory_space<vmem_shared>>
      %dma_start3A_116 = arith.constant 0 : i32
      %dma_start3A_117 = tpu.memref_slice %arg12[%add3A_21, %dma_start3A_116] : memref<10240x128xf32, #tpu.memory_space<vmem_shared>> -> memref<125x128xf32, #tpu.memory_space<vmem_shared>>
      tpu.enqueue_dma source(%arg9 : memref<125x128xf32, #tpu.memory_space<vmem>>) target(%dma_start3A_117 : memref<125x128xf32, #tpu.memory_space<vmem_shared>>) target_semaphore(%run_scoped3A_113 : memref<!tpu.dma_semaphore, #tpu.memory_space<semaphore_mem>>)
      %dma_wait3A_118 = arith.constant 0 : i32
      %dma_wait3A_119 = tpu.memref_slice %arg12[%add3A_21, %dma_wait3A_118] : memref<10240x128xf32, #tpu.memory_space<vmem_shared>> -> memref<125x128xf32, #tpu.memory_space<vmem_shared>>
      %dma_wait3A_120 = arith.constant 0 : i32
      %dma_wait3A_121 = tpu.memref_slice %arg12[%add3A_21, %dma_wait3A_120] : memref<10240x128xf32, #tpu.memory_space<vmem_shared>> -> memref<125x128xf32, #tpu.memory_space<vmem_shared>>
      tpu.wait_dma2 semaphore(%run_scoped3A_113 : memref<!tpu.dma_semaphore, #tpu.memory_space<semaphore_mem>>) src(%arg9 : memref<125x128xf32, #tpu.memory_space<vmem>>) dst(%dma_wait3A_121 : memref<125x128xf32, #tpu.memory_space<vmem_shared>>)
      tpu.yield
    }) : () -> ()
    %add3A_22 = arith.constant 500 : i32
    %add3A_23 = arith.addi %mul3A_13, %add3A_22 : i32
    "tpu.region"() ({
      %run_scoped3A_113 = tpu.sem_alloc : memref<!tpu.dma_semaphore, #tpu.memory_space<semaphore_mem>>
      %dma_start3A_114 = arith.constant 0 : i32
      %dma_start3A_115 = tpu.memref_slice %arg12[%add3A_23, %dma_start3A_114] : memref<10240x128xf32, #tpu.memory_space<vmem_shared>> -> memref<125x128xf32, #tpu.memory_space<vmem_shared>>
      %dma_start3A_116 = arith.constant 0 : i32
      %dma_start3A_117 = tpu.memref_slice %arg12[%add3A_23, %dma_start3A_116] : memref<10240x128xf32, #tpu.memory_space<vmem_shared>> -> memref<125x128xf32, #tpu.memory_space<vmem_shared>>
      tpu.enqueue_dma source(%arg9 : memref<125x128xf32, #tpu.memory_space<vmem>>) target(%dma_start3A_117 : memref<125x128xf32, #tpu.memory_space<vmem_shared>>) target_semaphore(%run_scoped3A_113 : memref<!tpu.dma_semaphore, #tpu.memory_space<semaphore_mem>>)
      %dma_wait3A_118 = arith.constant 0 : i32
      %dma_wait3A_119 = tpu.memref_slice %arg12[%add3A_23, %dma_wait3A_118] : memref<10240x128xf32, #tpu.memory_space<vmem_shared>> -> memref<125x128xf32, #tpu.memory_space<vmem_shared>>
      %dma_wait3A_120 = arith.constant 0 : i32
      %dma_wait3A_121 = tpu.memref_slice %arg12[%add3A_23, %dma_wait3A_120] : memref<10240x128xf32, #tpu.memory_space<vmem_shared>> -> memref<125x128xf32, #tpu.memory_space<vmem_shared>>
      tpu.wait_dma2 semaphore(%run_scoped3A_113 : memref<!tpu.dma_semaphore, #tpu.memory_space<semaphore_mem>>) src(%arg9 : memref<125x128xf32, #tpu.memory_space<vmem>>) dst(%dma_wait3A_121 : memref<125x128xf32, #tpu.memory_space<vmem_shared>>)
      tpu.yield
    }) : () -> ()
    %add3A_24 = arith.constant 625 : i32
    %add3A_25 = arith.addi %mul3A_13, %add3A_24 : i32
    "tpu.region"() ({
      %run_scoped3A_113 = tpu.sem_alloc : memref<!tpu.dma_semaphore, #tpu.memory_space<semaphore_mem>>
      %dma_start3A_114 = arith.constant 0 : i32
      %dma_start3A_115 = arith.constant 0 : i32
      %dma_start3A_116 = tpu.memref_slice %arg9[%dma_start3A_114, %dma_start3A_115] : memref<125x128xf32, #tpu.memory_space<vmem>> -> memref<15x128xf32, #tpu.memory_space<vmem>>
      %dma_start3A_117 = arith.constant 0 : i32
      %dma_start3A_118 = tpu.memref_slice %arg12[%add3A_25, %dma_start3A_117] : memref<10240x128xf32, #tpu.memory_space<vmem_shared>> -> memref<15x128xf32, #tpu.memory_space<vmem_shared>>
      %dma_start3A_119 = arith.constant 0 : i32
      %dma_start3A_120 = tpu.memref_slice %arg12[%add3A_25, %dma_start3A_119] : memref<10240x128xf32, #tpu.memory_space<vmem_shared>> -> memref<15x128xf32, #tpu.memory_space<vmem_shared>>
      %dma_start3A_121 = arith.constant 0 : i32
      %dma_start3A_122 = arith.constant 0 : i32
      %dma_start3A_123 = tpu.memref_slice %arg9[%dma_start3A_121, %dma_start3A_122] : memref<125x128xf32, #tpu.memory_space<vmem>> -> memref<15x128xf32, #tpu.memory_space<vmem>>
      tpu.enqueue_dma source(%dma_start3A_123 : memref<15x128xf32, #tpu.memory_space<vmem>>) target(%dma_start3A_120 : memref<15x128xf32, #tpu.memory_space<vmem_shared>>) target_semaphore(%run_scoped3A_113 : memref<!tpu.dma_semaphore, #tpu.memory_space<semaphore_mem>>)
      %dma_wait3A_124 = arith.constant 0 : i32
      %dma_wait3A_125 = arith.constant 0 : i32
      %dma_wait3A_126 = tpu.memref_slice %arg9[%dma_wait3A_124, %dma_wait3A_125] : memref<125x128xf32, #tpu.memory_space<vmem>> -> memref<15x128xf32, #tpu.memory_space<vmem>>
      %dma_wait3A_127 = arith.constant 0 : i32
      %dma_wait3A_128 = tpu.memref_slice %arg12[%add3A_25, %dma_wait3A_127] : memref<10240x128xf32, #tpu.memory_space<vmem_shared>> -> memref<15x128xf32, #tpu.memory_space<vmem_shared>>
      %dma_wait3A_129 = arith.constant 0 : i32
      %dma_wait3A_130 = tpu.memref_slice %arg12[%add3A_25, %dma_wait3A_129] : memref<10240x128xf32, #tpu.memory_space<vmem_shared>> -> memref<15x128xf32, #tpu.memory_space<vmem_shared>>
      %dma_wait3A_131 = arith.constant 0 : i32
      %dma_wait3A_132 = arith.constant 0 : i32
      %dma_wait3A_133 = tpu.memref_slice %arg9[%dma_wait3A_131, %dma_wait3A_132] : memref<125x128xf32, #tpu.memory_space<vmem>> -> memref<15x128xf32, #tpu.memory_space<vmem>>
      tpu.wait_dma2 semaphore(%run_scoped3A_113 : memref<!tpu.dma_semaphore, #tpu.memory_space<semaphore_mem>>) src(%dma_wait3A_133 : memref<15x128xf32, #tpu.memory_space<vmem>>) dst(%dma_wait3A_130 : memref<15x128xf32, #tpu.memory_space<vmem_shared>>)
      tpu.yield
    }) : () -> ()
    %mul3A_26 = arith.constant 640 : i32
    %mul3A_27 = arith.muli %arg1, %mul3A_26 : i32
    %mul3A_28 = arith.constant 640 : i32
    %mul3A_29 = arith.muli %arg1, %mul3A_28 : i32
    %run_scoped3A = arith.constant 0 : i32
    "tpu.region"() ({
      %run_scoped3A_113 = tpu.sem_alloc : memref<!tpu.dma_semaphore, #tpu.memory_space<semaphore_mem>>
      %dma_start3A_114 = arith.constant 0 : i32
      %dma_start3A_115 = tpu.memref_slice %arg9[%run_scoped3A, %dma_start3A_114] : memref<125x128xf32, #tpu.memory_space<vmem>> -> memref<1x128xf32, #tpu.memory_space<vmem>>
      %dma_start3A_116 = tpu.memref_squeeze %dma_start3A_115 : memref<1x128xf32, #tpu.memory_space<vmem>> -> memref<128xf32, #tpu.memory_space<vmem>>
      %dma_start3A_117 = tpu.memref_slice %arg13[%mul3A_29] : memref<10240xf32, #tpu.memory_space<vmem_shared>> -> memref<128xf32, #tpu.memory_space<vmem_shared>>
      %dma_start3A_118 = tpu.memref_slice %arg13[%mul3A_29] : memref<10240xf32, #tpu.memory_space<vmem_shared>> -> memref<128xf32, #tpu.memory_space<vmem_shared>>
      %dma_start3A_119 = arith.constant 0 : i32
      %dma_start3A_120 = tpu.memref_slice %arg9[%run_scoped3A, %dma_start3A_119] : memref<125x128xf32, #tpu.memory_space<vmem>> -> memref<1x128xf32, #tpu.memory_space<vmem>>
      %dma_start3A_121 = tpu.memref_squeeze %dma_start3A_120 : memref<1x128xf32, #tpu.memory_space<vmem>> -> memref<128xf32, #tpu.memory_space<vmem>>
      tpu.enqueue_dma source(%dma_start3A_121 : memref<128xf32, #tpu.memory_space<vmem>>) target(%dma_start3A_118 : memref<128xf32, #tpu.memory_space<vmem_shared>>) target_semaphore(%run_scoped3A_113 : memref<!tpu.dma_semaphore, #tpu.memory_space<semaphore_mem>>)
      %dma_wait3A_122 = arith.constant 0 : i32
      %dma_wait3A_123 = tpu.memref_slice %arg9[%run_scoped3A, %dma_wait3A_122] : memref<125x128xf32, #tpu.memory_space<vmem>> -> memref<1x128xf32, #tpu.memory_space<vmem>>
      %dma_wait3A_124 = tpu.memref_squeeze %dma_wait3A_123 : memref<1x128xf32, #tpu.memory_space<vmem>> -> memref<128xf32, #tpu.memory_space<vmem>>
      %dma_wait3A_125 = tpu.memref_slice %arg13[%mul3A_29] : memref<10240xf32, #tpu.memory_space<vmem_shared>> -> memref<128xf32, #tpu.memory_space<vmem_shared>>
      %dma_wait3A_126 = tpu.memref_slice %arg13[%mul3A_29] : memref<10240xf32, #tpu.memory_space<vmem_shared>> -> memref<128xf32, #tpu.memory_space<vmem_shared>>
      %dma_wait3A_127 = arith.constant 0 : i32
      %dma_wait3A_128 = tpu.memref_slice %arg9[%run_scoped3A, %dma_wait3A_127] : memref<125x128xf32, #tpu.memory_space<vmem>> -> memref<1x128xf32, #tpu.memory_space<vmem>>
      %dma_wait3A_129 = tpu.memref_squeeze %dma_wait3A_128 : memref<1x128xf32, #tpu.memory_space<vmem>> -> memref<128xf32, #tpu.memory_space<vmem>>
      tpu.wait_dma2 semaphore(%run_scoped3A_113 : memref<!tpu.dma_semaphore, #tpu.memory_space<semaphore_mem>>) src(%dma_wait3A_129 : memref<128xf32, #tpu.memory_space<vmem>>) dst(%dma_wait3A_126 : memref<128xf32, #tpu.memory_space<vmem_shared>>)
      tpu.yield
    }) : () -> ()
    %mul3A_30 = arith.constant 640 : i32
    %mul3A_31 = arith.muli %arg1, %mul3A_30 : i32
    %add3A_32 = arith.constant 128 : i32
    %add3A_33 = arith.addi %mul3A_31, %add3A_32 : i32
    %run_scoped3A_34 = arith.constant 0 : i32
    "tpu.region"() ({
      %run_scoped3A_113 = tpu.sem_alloc : memref<!tpu.dma_semaphore, #tpu.memory_space<semaphore_mem>>
      %dma_start3A_114 = arith.constant 0 : i32
      %dma_start3A_115 = tpu.memref_slice %arg9[%run_scoped3A_34, %dma_start3A_114] : memref<125x128xf32, #tpu.memory_space<vmem>> -> memref<1x128xf32, #tpu.memory_space<vmem>>
      %dma_start3A_116 = tpu.memref_squeeze %dma_start3A_115 : memref<1x128xf32, #tpu.memory_space<vmem>> -> memref<128xf32, #tpu.memory_space<vmem>>
      %dma_start3A_117 = tpu.memref_slice %arg13[%add3A_33] : memref<10240xf32, #tpu.memory_space<vmem_shared>> -> memref<128xf32, #tpu.memory_space<vmem_shared>>
      %dma_start3A_118 = tpu.memref_slice %arg13[%add3A_33] : memref<10240xf32, #tpu.memory_space<vmem_shared>> -> memref<128xf32, #tpu.memory_space<vmem_shared>>
      %dma_start3A_119 = arith.constant 0 : i32
      %dma_start3A_120 = tpu.memref_slice %arg9[%run_scoped3A_34, %dma_start3A_119] : memref<125x128xf32, #tpu.memory_space<vmem>> -> memref<1x128xf32, #tpu.memory_space<vmem>>
      %dma_start3A_121 = tpu.memref_squeeze %dma_start3A_120 : memref<1x128xf32, #tpu.memory_space<vmem>> -> memref<128xf32, #tpu.memory_space<vmem>>
      tpu.enqueue_dma source(%dma_start3A_121 : memref<128xf32, #tpu.memory_space<vmem>>) target(%dma_start3A_118 : memref<128xf32, #tpu.memory_space<vmem_shared>>) target_semaphore(%run_scoped3A_113 : memref<!tpu.dma_semaphore, #tpu.memory_space<semaphore_mem>>)
      %dma_wait3A_122 = arith.constant 0 : i32
      %dma_wait3A_123 = tpu.memref_slice %arg9[%run_scoped3A_34, %dma_wait3A_122] : memref<125x128xf32, #tpu.memory_space<vmem>> -> memref<1x128xf32, #tpu.memory_space<vmem>>
      %dma_wait3A_124 = tpu.memref_squeeze %dma_wait3A_123 : memref<1x128xf32, #tpu.memory_space<vmem>> -> memref<128xf32, #tpu.memory_space<vmem>>
      %dma_wait3A_125 = tpu.memref_slice %arg13[%add3A_33] : memref<10240xf32, #tpu.memory_space<vmem_shared>> -> memref<128xf32, #tpu.memory_space<vmem_shared>>
      %dma_wait3A_126 = tpu.memref_slice %arg13[%add3A_33] : memref<10240xf32, #tpu.memory_space<vmem_shared>> -> memref<128xf32, #tpu.memory_space<vmem_shared>>
      %dma_wait3A_127 = arith.constant 0 : i32
      %dma_wait3A_128 = tpu.memref_slice %arg9[%run_scoped3A_34, %dma_wait3A_127] : memref<125x128xf32, #tpu.memory_space<vmem>> -> memref<1x128xf32, #tpu.memory_space<vmem>>
      %dma_wait3A_129 = tpu.memref_squeeze %dma_wait3A_128 : memref<1x128xf32, #tpu.memory_space<vmem>> -> memref<128xf32, #tpu.memory_space<vmem>>
      tpu.wait_dma2 semaphore(%run_scoped3A_113 : memref<!tpu.dma_semaphore, #tpu.memory_space<semaphore_mem>>) src(%dma_wait3A_129 : memref<128xf32, #tpu.memory_space<vmem>>) dst(%dma_wait3A_126 : memref<128xf32, #tpu.memory_space<vmem_shared>>)
      tpu.yield
    }) : () -> ()
    %mul3A_35 = arith.constant 640 : i32
    %mul3A_36 = arith.muli %arg1, %mul3A_35 : i32
    %add3A_37 = arith.constant 256 : i32
    %add3A_38 = arith.addi %mul3A_36, %add3A_37 : i32
    %run_scoped3A_39 = arith.constant 0 : i32
    "tpu.region"() ({
      %run_scoped3A_113 = tpu.sem_alloc : memref<!tpu.dma_semaphore, #tpu.memory_space<semaphore_mem>>
      %dma_start3A_114 = arith.constant 0 : i32
      %dma_start3A_115 = tpu.memref_slice %arg9[%run_scoped3A_39, %dma_start3A_114] : memref<125x128xf32, #tpu.memory_space<vmem>> -> memref<1x128xf32, #tpu.memory_space<vmem>>
      %dma_start3A_116 = tpu.memref_squeeze %dma_start3A_115 : memref<1x128xf32, #tpu.memory_space<vmem>> -> memref<128xf32, #tpu.memory_space<vmem>>
      %dma_start3A_117 = tpu.memref_slice %arg13[%add3A_38] : memref<10240xf32, #tpu.memory_space<vmem_shared>> -> memref<128xf32, #tpu.memory_space<vmem_shared>>
      %dma_start3A_118 = tpu.memref_slice %arg13[%add3A_38] : memref<10240xf32, #tpu.memory_space<vmem_shared>> -> memref<128xf32, #tpu.memory_space<vmem_shared>>
      %dma_start3A_119 = arith.constant 0 : i32
      %dma_start3A_120 = tpu.memref_slice %arg9[%run_scoped3A_39, %dma_start3A_119] : memref<125x128xf32, #tpu.memory_space<vmem>> -> memref<1x128xf32, #tpu.memory_space<vmem>>
      %dma_start3A_121 = tpu.memref_squeeze %dma_start3A_120 : memref<1x128xf32, #tpu.memory_space<vmem>> -> memref<128xf32, #tpu.memory_space<vmem>>
      tpu.enqueue_dma source(%dma_start3A_121 : memref<128xf32, #tpu.memory_space<vmem>>) target(%dma_start3A_118 : memref<128xf32, #tpu.memory_space<vmem_shared>>) target_semaphore(%run_scoped3A_113 : memref<!tpu.dma_semaphore, #tpu.memory_space<semaphore_mem>>)
      %dma_wait3A_122 = arith.constant 0 : i32
      %dma_wait3A_123 = tpu.memref_slice %arg9[%run_scoped3A_39, %dma_wait3A_122] : memref<125x128xf32, #tpu.memory_space<vmem>> -> memref<1x128xf32, #tpu.memory_space<vmem>>
      %dma_wait3A_124 = tpu.memref_squeeze %dma_wait3A_123 : memref<1x128xf32, #tpu.memory_space<vmem>> -> memref<128xf32, #tpu.memory_space<vmem>>
      %dma_wait3A_125 = tpu.memref_slice %arg13[%add3A_38] : memref<10240xf32, #tpu.memory_space<vmem_shared>> -> memref<128xf32, #tpu.memory_space<vmem_shared>>
      %dma_wait3A_126 = tpu.memref_slice %arg13[%add3A_38] : memref<10240xf32, #tpu.memory_space<vmem_shared>> -> memref<128xf32, #tpu.memory_space<vmem_shared>>
      %dma_wait3A_127 = arith.constant 0 : i32
      %dma_wait3A_128 = tpu.memref_slice %arg9[%run_scoped3A_39, %dma_wait3A_127] : memref<125x128xf32, #tpu.memory_space<vmem>> -> memref<1x128xf32, #tpu.memory_space<vmem>>
      %dma_wait3A_129 = tpu.memref_squeeze %dma_wait3A_128 : memref<1x128xf32, #tpu.memory_space<vmem>> -> memref<128xf32, #tpu.memory_space<vmem>>
      tpu.wait_dma2 semaphore(%run_scoped3A_113 : memref<!tpu.dma_semaphore, #tpu.memory_space<semaphore_mem>>) src(%dma_wait3A_129 : memref<128xf32, #tpu.memory_space<vmem>>) dst(%dma_wait3A_126 : memref<128xf32, #tpu.memory_space<vmem_shared>>)
      tpu.yield
    }) : () -> ()
    %mul3A_40 = arith.constant 640 : i32
    %mul3A_41 = arith.muli %arg1, %mul3A_40 : i32
    %add3A_42 = arith.constant 384 : i32
    %add3A_43 = arith.addi %mul3A_41, %add3A_42 : i32
    %run_scoped3A_44 = arith.constant 0 : i32
    "tpu.region"() ({
      %run_scoped3A_113 = tpu.sem_alloc : memref<!tpu.dma_semaphore, #tpu.memory_space<semaphore_mem>>
      %dma_start3A_114 = arith.constant 0 : i32
      %dma_start3A_115 = tpu.memref_slice %arg9[%run_scoped3A_44, %dma_start3A_114] : memref<125x128xf32, #tpu.memory_space<vmem>> -> memref<1x128xf32, #tpu.memory_space<vmem>>
      %dma_start3A_116 = tpu.memref_squeeze %dma_start3A_115 : memref<1x128xf32, #tpu.memory_space<vmem>> -> memref<128xf32, #tpu.memory_space<vmem>>
      %dma_start3A_117 = tpu.memref_slice %arg13[%add3A_43] : memref<10240xf32, #tpu.memory_space<vmem_shared>> -> memref<128xf32, #tpu.memory_space<vmem_shared>>
      %dma_start3A_118 = tpu.memref_slice %arg13[%add3A_43] : memref<10240xf32, #tpu.memory_space<vmem_shared>> -> memref<128xf32, #tpu.memory_space<vmem_shared>>
      %dma_start3A_119 = arith.constant 0 : i32
      %dma_start3A_120 = tpu.memref_slice %arg9[%run_scoped3A_44, %dma_start3A_119] : memref<125x128xf32, #tpu.memory_space<vmem>> -> memref<1x128xf32, #tpu.memory_space<vmem>>
      %dma_start3A_121 = tpu.memref_squeeze %dma_start3A_120 : memref<1x128xf32, #tpu.memory_space<vmem>> -> memref<128xf32, #tpu.memory_space<vmem>>
      tpu.enqueue_dma source(%dma_start3A_121 : memref<128xf32, #tpu.memory_space<vmem>>) target(%dma_start3A_118 : memref<128xf32, #tpu.memory_space<vmem_shared>>) target_semaphore(%run_scoped3A_113 : memref<!tpu.dma_semaphore, #tpu.memory_space<semaphore_mem>>)
      %dma_wait3A_122 = arith.constant 0 : i32
      %dma_wait3A_123 = tpu.memref_slice %arg9[%run_scoped3A_44, %dma_wait3A_122] : memref<125x128xf32, #tpu.memory_space<vmem>> -> memref<1x128xf32, #tpu.memory_space<vmem>>
      %dma_wait3A_124 = tpu.memref_squeeze %dma_wait3A_123 : memref<1x128xf32, #tpu.memory_space<vmem>> -> memref<128xf32, #tpu.memory_space<vmem>>
      %dma_wait3A_125 = tpu.memref_slice %arg13[%add3A_43] : memref<10240xf32, #tpu.memory_space<vmem_shared>> -> memref<128xf32, #tpu.memory_space<vmem_shared>>
      %dma_wait3A_126 = tpu.memref_slice %arg13[%add3A_43] : memref<10240xf32, #tpu.memory_space<vmem_shared>> -> memref<128xf32, #tpu.memory_space<vmem_shared>>
      %dma_wait3A_127 = arith.constant 0 : i32
      %dma_wait3A_128 = tpu.memref_slice %arg9[%run_scoped3A_44, %dma_wait3A_127] : memref<125x128xf32, #tpu.memory_space<vmem>> -> memref<1x128xf32, #tpu.memory_space<vmem>>
      %dma_wait3A_129 = tpu.memref_squeeze %dma_wait3A_128 : memref<1x128xf32, #tpu.memory_space<vmem>> -> memref<128xf32, #tpu.memory_space<vmem>>
      tpu.wait_dma2 semaphore(%run_scoped3A_113 : memref<!tpu.dma_semaphore, #tpu.memory_space<semaphore_mem>>) src(%dma_wait3A_129 : memref<128xf32, #tpu.memory_space<vmem>>) dst(%dma_wait3A_126 : memref<128xf32, #tpu.memory_space<vmem_shared>>)
      tpu.yield
    }) : () -> ()
    %mul3A_45 = arith.constant 640 : i32
    %mul3A_46 = arith.muli %arg1, %mul3A_45 : i32
    %add3A_47 = arith.constant 512 : i32
    %add3A_48 = arith.addi %mul3A_46, %add3A_47 : i32
    %run_scoped3A_49 = arith.constant 0 : i32
    "tpu.region"() ({
      %run_scoped3A_113 = tpu.sem_alloc : memref<!tpu.dma_semaphore, #tpu.memory_space<semaphore_mem>>
      %dma_start3A_114 = arith.constant 0 : i32
      %dma_start3A_115 = tpu.memref_slice %arg9[%run_scoped3A_49, %dma_start3A_114] : memref<125x128xf32, #tpu.memory_space<vmem>> -> memref<1x128xf32, #tpu.memory_space<vmem>>
      %dma_start3A_116 = tpu.memref_squeeze %dma_start3A_115 : memref<1x128xf32, #tpu.memory_space<vmem>> -> memref<128xf32, #tpu.memory_space<vmem>>
      %dma_start3A_117 = tpu.memref_slice %arg13[%add3A_48] : memref<10240xf32, #tpu.memory_space<vmem_shared>> -> memref<128xf32, #tpu.memory_space<vmem_shared>>
      %dma_start3A_118 = tpu.memref_slice %arg13[%add3A_48] : memref<10240xf32, #tpu.memory_space<vmem_shared>> -> memref<128xf32, #tpu.memory_space<vmem_shared>>
      %dma_start3A_119 = arith.constant 0 : i32
      %dma_start3A_120 = tpu.memref_slice %arg9[%run_scoped3A_49, %dma_start3A_119] : memref<125x128xf32, #tpu.memory_space<vmem>> -> memref<1x128xf32, #tpu.memory_space<vmem>>
      %dma_start3A_121 = tpu.memref_squeeze %dma_start3A_120 : memref<1x128xf32, #tpu.memory_space<vmem>> -> memref<128xf32, #tpu.memory_space<vmem>>
      tpu.enqueue_dma source(%dma_start3A_121 : memref<128xf32, #tpu.memory_space<vmem>>) target(%dma_start3A_118 : memref<128xf32, #tpu.memory_space<vmem_shared>>) target_semaphore(%run_scoped3A_113 : memref<!tpu.dma_semaphore, #tpu.memory_space<semaphore_mem>>)
      %dma_wait3A_122 = arith.constant 0 : i32
      %dma_wait3A_123 = tpu.memref_slice %arg9[%run_scoped3A_49, %dma_wait3A_122] : memref<125x128xf32, #tpu.memory_space<vmem>> -> memref<1x128xf32, #tpu.memory_space<vmem>>
      %dma_wait3A_124 = tpu.memref_squeeze %dma_wait3A_123 : memref<1x128xf32, #tpu.memory_space<vmem>> -> memref<128xf32, #tpu.memory_space<vmem>>
      %dma_wait3A_125 = tpu.memref_slice %arg13[%add3A_48] : memref<10240xf32, #tpu.memory_space<vmem_shared>> -> memref<128xf32, #tpu.memory_space<vmem_shared>>
      %dma_wait3A_126 = tpu.memref_slice %arg13[%add3A_48] : memref<10240xf32, #tpu.memory_space<vmem_shared>> -> memref<128xf32, #tpu.memory_space<vmem_shared>>
      %dma_wait3A_127 = arith.constant 0 : i32
      %dma_wait3A_128 = tpu.memref_slice %arg9[%run_scoped3A_49, %dma_wait3A_127] : memref<125x128xf32, #tpu.memory_space<vmem>> -> memref<1x128xf32, #tpu.memory_space<vmem>>
      %dma_wait3A_129 = tpu.memref_squeeze %dma_wait3A_128 : memref<1x128xf32, #tpu.memory_space<vmem>> -> memref<128xf32, #tpu.memory_space<vmem>>
      tpu.wait_dma2 semaphore(%run_scoped3A_113 : memref<!tpu.dma_semaphore, #tpu.memory_space<semaphore_mem>>) src(%dma_wait3A_129 : memref<128xf32, #tpu.memory_space<vmem>>) dst(%dma_wait3A_126 : memref<128xf32, #tpu.memory_space<vmem_shared>>)
      tpu.yield
    }) : () -> ()
    %mul3A_50 = arith.constant 80 : i32
    %mul3A_51 = arith.muli %add3A, %mul3A_50 : i32
    %run_scoped3A_52 = arith.constant 0 : i32
    "tpu.region"() ({
      %run_scoped3A_113 = tpu.sem_alloc : memref<!tpu.dma_semaphore, #tpu.memory_space<semaphore_mem>>
      %dma_start3A_114 = arith.constant 0 : i32
      %dma_start3A_115 = tpu.memref_slice %arg3[%run_scoped3A_52, %mul3A_51, %dma_start3A_114] : memref<2x2560x125xi32, #tpu.memory_space<hbm>> -> memref<1x80x125xi32, #tpu.memory_space<hbm>>
      %dma_start3A_116 = tpu.memref_squeeze %dma_start3A_115 : memref<1x80x125xi32, #tpu.memory_space<hbm>> -> memref<80x125xi32, #tpu.memory_space<hbm>>
      %dma_start3A_117 = arith.constant 0 : i32
      %dma_start3A_118 = tpu.memref_slice %arg3[%run_scoped3A_52, %mul3A_51, %dma_start3A_117] : memref<2x2560x125xi32, #tpu.memory_space<hbm>> -> memref<1x80x125xi32, #tpu.memory_space<hbm>>
      %dma_start3A_119 = tpu.memref_squeeze %dma_start3A_118 : memref<1x80x125xi32, #tpu.memory_space<hbm>> -> memref<80x125xi32, #tpu.memory_space<hbm>>
      tpu.enqueue_dma source(%dma_start3A_119 : memref<80x125xi32, #tpu.memory_space<hbm>>) target(%arg7 : memref<80x125xi32, #tpu.memory_space<vmem>>) target_semaphore(%run_scoped3A_113 : memref<!tpu.dma_semaphore, #tpu.memory_space<semaphore_mem>>)
      %dma_wait3A_120 = arith.constant 0 : i32
      %dma_wait3A_121 = tpu.memref_slice %arg3[%run_scoped3A_52, %mul3A_51, %dma_wait3A_120] : memref<2x2560x125xi32, #tpu.memory_space<hbm>> -> memref<1x80x125xi32, #tpu.memory_space<hbm>>
      %dma_wait3A_122 = tpu.memref_squeeze %dma_wait3A_121 : memref<1x80x125xi32, #tpu.memory_space<hbm>> -> memref<80x125xi32, #tpu.memory_space<hbm>>
      %dma_wait3A_123 = arith.constant 0 : i32
      %dma_wait3A_124 = tpu.memref_slice %arg3[%run_scoped3A_52, %mul3A_51, %dma_wait3A_123] : memref<2x2560x125xi32, #tpu.memory_space<hbm>> -> memref<1x80x125xi32, #tpu.memory_space<hbm>>
      %dma_wait3A_125 = tpu.memref_squeeze %dma_wait3A_124 : memref<1x80x125xi32, #tpu.memory_space<hbm>> -> memref<80x125xi32, #tpu.memory_space<hbm>>
      tpu.wait_dma2 semaphore(%run_scoped3A_113 : memref<!tpu.dma_semaphore, #tpu.memory_space<semaphore_mem>>) src(%dma_wait3A_125 : memref<80x125xi32, #tpu.memory_space<hbm>>) dst(%arg7 : memref<80x125xi32, #tpu.memory_space<vmem>>)
      tpu.yield
    }) : () -> ()
    %mul3A_53 = arith.constant 80 : i32
    %mul3A_54 = arith.muli %add3A, %mul3A_53 : i32
    %run_scoped3A_55 = arith.constant 1 : i32
    %run_scoped3A_56 = arith.constant 0 : i32
    "tpu.region"() ({
      %run_scoped3A_113 = tpu.sem_alloc : memref<!tpu.dma_semaphore, #tpu.memory_space<semaphore_mem>>
      %dma_start3A_114 = arith.constant 0 : i32
      %dma_start3A_115 = arith.constant 0 : i32
      %dma_start3A_116 = tpu.memref_slice %arg8[%run_scoped3A_56, %dma_start3A_114, %dma_start3A_115] : memref<2x8x125xi32, #tpu.memory_space<vmem>> -> memref<1x8x125xi32, #tpu.memory_space<vmem>>
      %dma_start3A_117 = tpu.memref_squeeze %dma_start3A_116 : memref<1x8x125xi32, #tpu.memory_space<vmem>> -> memref<8x125xi32, #tpu.memory_space<vmem>>
      %dma_start3A_118 = arith.constant 0 : i32
      %dma_start3A_119 = tpu.memref_slice %arg3[%run_scoped3A_55, %mul3A_54, %dma_start3A_118] : memref<2x2560x125xi32, #tpu.memory_space<hbm>> -> memref<1x8x125xi32, #tpu.memory_space<hbm>>
      %dma_start3A_120 = tpu.memref_squeeze %dma_start3A_119 : memref<1x8x125xi32, #tpu.memory_space<hbm>> -> memref<8x125xi32, #tpu.memory_space<hbm>>
      %dma_start3A_121 = arith.constant 0 : i32
      %dma_start3A_122 = arith.constant 0 : i32
      %dma_start3A_123 = tpu.memref_slice %arg8[%run_scoped3A_56, %dma_start3A_121, %dma_start3A_122] : memref<2x8x125xi32, #tpu.memory_space<vmem>> -> memref<1x8x125xi32, #tpu.memory_space<vmem>>
      %dma_start3A_124 = tpu.memref_squeeze %dma_start3A_123 : memref<1x8x125xi32, #tpu.memory_space<vmem>> -> memref<8x125xi32, #tpu.memory_space<vmem>>
      %dma_start3A_125 = arith.constant 0 : i32
      %dma_start3A_126 = tpu.memref_slice %arg3[%run_scoped3A_55, %mul3A_54, %dma_start3A_125] : memref<2x2560x125xi32, #tpu.memory_space<hbm>> -> memref<1x8x125xi32, #tpu.memory_space<hbm>>
      %dma_start3A_127 = tpu.memref_squeeze %dma_start3A_126 : memref<1x8x125xi32, #tpu.memory_space<hbm>> -> memref<8x125xi32, #tpu.memory_space<hbm>>
      tpu.enqueue_dma source(%dma_start3A_127 : memref<8x125xi32, #tpu.memory_space<hbm>>) target(%dma_start3A_124 : memref<8x125xi32, #tpu.memory_space<vmem>>) target_semaphore(%run_scoped3A_113 : memref<!tpu.dma_semaphore, #tpu.memory_space<semaphore_mem>>)
      %dma_wait3A_128 = arith.constant 0 : i32
      %dma_wait3A_129 = arith.constant 0 : i32
      %dma_wait3A_130 = tpu.memref_slice %arg8[%run_scoped3A_56, %dma_wait3A_128, %dma_wait3A_129] : memref<2x8x125xi32, #tpu.memory_space<vmem>> -> memref<1x8x125xi32, #tpu.memory_space<vmem>>
      %dma_wait3A_131 = tpu.memref_squeeze %dma_wait3A_130 : memref<1x8x125xi32, #tpu.memory_space<vmem>> -> memref<8x125xi32, #tpu.memory_space<vmem>>
      %dma_wait3A_132 = arith.constant 0 : i32
      %dma_wait3A_133 = tpu.memref_slice %arg3[%run_scoped3A_55, %mul3A_54, %dma_wait3A_132] : memref<2x2560x125xi32, #tpu.memory_space<hbm>> -> memref<1x8x125xi32, #tpu.memory_space<hbm>>
      %dma_wait3A_134 = tpu.memref_squeeze %dma_wait3A_133 : memref<1x8x125xi32, #tpu.memory_space<hbm>> -> memref<8x125xi32, #tpu.memory_space<hbm>>
      %dma_wait3A_135 = arith.constant 0 : i32
      %dma_wait3A_136 = arith.constant 0 : i32
      %dma_wait3A_137 = tpu.memref_slice %arg8[%run_scoped3A_56, %dma_wait3A_135, %dma_wait3A_136] : memref<2x8x125xi32, #tpu.memory_space<vmem>> -> memref<1x8x125xi32, #tpu.memory_space<vmem>>
      %dma_wait3A_138 = tpu.memref_squeeze %dma_wait3A_137 : memref<1x8x125xi32, #tpu.memory_space<vmem>> -> memref<8x125xi32, #tpu.memory_space<vmem>>
      %dma_wait3A_139 = arith.constant 0 : i32
      %dma_wait3A_140 = tpu.memref_slice %arg3[%run_scoped3A_55, %mul3A_54, %dma_wait3A_139] : memref<2x2560x125xi32, #tpu.memory_space<hbm>> -> memref<1x8x125xi32, #tpu.memory_space<hbm>>
      %dma_wait3A_141 = tpu.memref_squeeze %dma_wait3A_140 : memref<1x8x125xi32, #tpu.memory_space<hbm>> -> memref<8x125xi32, #tpu.memory_space<hbm>>
      tpu.wait_dma2 semaphore(%run_scoped3A_113 : memref<!tpu.dma_semaphore, #tpu.memory_space<semaphore_mem>>) src(%dma_wait3A_141 : memref<8x125xi32, #tpu.memory_space<hbm>>) dst(%dma_wait3A_138 : memref<8x125xi32, #tpu.memory_space<vmem>>)
      tpu.yield
    }) : () -> ()
    %mul3A_57 = arith.constant 80 : i32
    %mul3A_58 = arith.muli %add3A, %mul3A_57 : i32
    %add3A_59 = arith.constant 8 : i32
    %add3A_60 = arith.addi %mul3A_58, %add3A_59 : i32
    %dma_start3A = arith.constant 1 : i32
    %dma_start3A_61 = arith.constant 1 : i32
    %dma_start3A_62 = arith.constant 0 : i32
    %dma_start3A_63 = arith.constant 0 : i32
    %dma_start3A_64 = tpu.memref_slice %arg8[%dma_start3A_61, %dma_start3A_62, %dma_start3A_63] : memref<2x8x125xi32, #tpu.memory_space<vmem>> -> memref<1x8x125xi32, #tpu.memory_space<vmem>>
    %dma_start3A_65 = tpu.memref_squeeze %dma_start3A_64 : memref<1x8x125xi32, #tpu.memory_space<vmem>> -> memref<8x125xi32, #tpu.memory_space<vmem>>
    %dma_start3A_66 = arith.constant 0 : i32
    %dma_start3A_67 = tpu.memref_slice %arg3[%dma_start3A, %add3A_60, %dma_start3A_66] : memref<2x2560x125xi32, #tpu.memory_space<hbm>> -> memref<1x8x125xi32, #tpu.memory_space<hbm>>
    %dma_start3A_68 = tpu.memref_squeeze %dma_start3A_67 : memref<1x8x125xi32, #tpu.memory_space<hbm>> -> memref<8x125xi32, #tpu.memory_space<hbm>>
    %dma_start3A_69 = arith.constant 0 : i32
    %dma_start3A_70 = arith.constant 0 : i32
    %dma_start3A_71 = tpu.memref_slice %arg8[%dma_start3A_61, %dma_start3A_69, %dma_start3A_70] : memref<2x8x125xi32, #tpu.memory_space<vmem>> -> memref<1x8x125xi32, #tpu.memory_space<vmem>>
    %dma_start3A_72 = tpu.memref_squeeze %dma_start3A_71 : memref<1x8x125xi32, #tpu.memory_space<vmem>> -> memref<8x125xi32, #tpu.memory_space<vmem>>
    %dma_start3A_73 = arith.constant 0 : i32
    %dma_start3A_74 = tpu.memref_slice %arg3[%dma_start3A, %add3A_60, %dma_start3A_73] : memref<2x2560x125xi32, #tpu.memory_space<hbm>> -> memref<1x8x125xi32, #tpu.memory_space<hbm>>
    %dma_start3A_75 = tpu.memref_squeeze %dma_start3A_74 : memref<1x8x125xi32, #tpu.memory_space<hbm>> -> memref<8x125xi32, #tpu.memory_space<hbm>>
    tpu.enqueue_dma source(%dma_start3A_75 : memref<8x125xi32, #tpu.memory_space<hbm>>) target(%dma_start3A_72 : memref<8x125xi32, #tpu.memory_space<vmem>>) target_semaphore(%arg19 : memref<!tpu.dma_semaphore, #tpu.memory_space<semaphore_mem>>)
    %barrier3A = arith.constant 0 : index
    tpu.barrier barrier_id(%barrier3A)
    %dma_start3A_76 = arith.constant 0 : i32
    %dma_start3A_77 = arith.constant 0 : i32
    %dma_start3A_78 = tpu.memref_slice %arg7[%dma_start3A_76, %dma_start3A_77] : memref<80x125xi32, #tpu.memory_space<vmem>> -> memref<1x125xi32, #tpu.memory_space<vmem>>
    %dma_start3A_79 = tpu.memref_squeeze %dma_start3A_78 : memref<1x125xi32, #tpu.memory_space<vmem>> -> memref<125xi32, #tpu.memory_space<vmem>>
    %dma_start3A_80 = arith.constant 0 : i32
    %dma_start3A_81 = arith.constant 0 : i32
    %dma_start3A_82 = tpu.memref_slice %arg2[%dma_start3A_80, %dma_start3A_81] : memref<10000x128xf32, #tpu.memory_space<hbm>> -> memref<10000x128xf32, #tpu.memory_space<hbm>>
    tpu.enqueue_indirect_dma source(%dma_start3A_82 : memref<10000x128xf32, #tpu.memory_space<hbm>>) target(%arg9 : memref<125x128xf32, #tpu.memory_space<vmem>>) offsets(%dma_start3A_79 : memref<125xi32, #tpu.memory_space<vmem>>) semaphore(%arg14 : memref<!tpu.dma_semaphore, #tpu.memory_space<semaphore_mem>>)
    %scan3A_83 = arith.constant 0 : i32
    %scan3A_84 = arith.constant 0 : i32
    %scan3A_85 = arith.constant 40 : i32
    %scan3A_86 = arith.addi %scan3A_84, %scan3A_85 : i32
    %scan3A_87 = arith.constant 1 : i32
    scf.for %scan3A_113 = %scan3A_84 to %scan3A_86 step %scan3A_87  : i32 {
      %mul3A_114 = arith.constant 2 : i32
      %mul3A_115 = arith.muli %scan3A_113, %mul3A_114 : i32
      %add3A_116 = arith.constant 0 : i32
      %add3A_117 = arith.addi %mul3A_115, %add3A_116 : i32
      %jit3A = arith.constant 8 : i32
      %div3A = arith.divsi %add3A_117, %jit3A : i32
      %sign3A = arith.constant 0 : i32
      %sign3A_118 = arith.cmpi sgt, %add3A_117, %sign3A : i32
      %sign3A_119 = arith.extui %sign3A_118 : i1 to i32
      %sign3A_120 = arith.constant 0 : i32
      %sign3A_121 = arith.cmpi slt, %add3A_117, %sign3A_120 : i32
      %sign3A_122 = arith.extui %sign3A_121 : i1 to i32
      %sign3A_123 = arith.subi %sign3A_119, %sign3A_122 : i32
      %sign3A_124 = arith.constant 0 : i32
      %sign3A_125 = arith.cmpi sgt, %jit3A, %sign3A_124 : i32
      %sign3A_126 = arith.extui %sign3A_125 : i1 to i32
      %sign3A_127 = arith.constant 0 : i32
      %sign3A_128 = arith.cmpi slt, %jit3A, %sign3A_127 : i32
      %sign3A_129 = arith.extui %sign3A_128 : i1 to i32
      %sign3A_130 = arith.subi %sign3A_126, %sign3A_129 : i32
      %ne3A = arith.cmpi ne, %sign3A_123, %sign3A_130 : i32
      %rem3A = arith.remsi %add3A_117, %jit3A : i32
      %ne3A_131 = arith.constant 0 : i32
      %ne3A_132 = arith.cmpi ne, %rem3A, %ne3A_131 : i32
      %and3A = arith.andi %ne3A, %ne3A_132 : i1
      %sub3A = arith.constant 1 : i32
      %sub3A_133 = arith.subi %div3A, %sub3A : i32
      %select_n3A = arith.select %and3A, %sub3A_133, %div3A : i32
      %dma_wait3A_134 = arith.constant 0 : i32
      %dma_wait3A_135 = arith.constant 0 : i32
      %dma_wait3A_136 = tpu.memref_slice %arg7[%dma_wait3A_134, %dma_wait3A_135] : memref<80x125xi32, #tpu.memory_space<vmem>> -> memref<1x125xi32, #tpu.memory_space<vmem>>
      %dma_wait3A_137 = tpu.memref_squeeze %dma_wait3A_136 : memref<1x125xi32, #tpu.memory_space<vmem>> -> memref<125xi32, #tpu.memory_space<vmem>>
      %dma_wait3A_138 = arith.constant 0 : i32
      %dma_wait3A_139 = arith.constant 0 : i32
      %dma_wait3A_140 = tpu.memref_slice %arg2[%dma_wait3A_138, %dma_wait3A_139] : memref<10000x128xf32, #tpu.memory_space<hbm>> -> memref<10000x128xf32, #tpu.memory_space<hbm>>
      tpu.wait_indirect_dma semaphore(%arg14 : memref<!tpu.dma_semaphore, #tpu.memory_space<semaphore_mem>>) src(%dma_wait3A_140 : memref<10000x128xf32, #tpu.memory_space<hbm>>) dst(%arg9 : memref<125x128xf32, #tpu.memory_space<vmem>>)
      %ge3A = arith.constant 1 : i32
      %ge3A_141 = arith.cmpi sge, %add3A_117, %ge3A : i32
      %convert_element_type3A_142 = arith.extui %ge3A_141 : i1 to i32
      %cond3A_143 = arith.constant 0 : i32
      %cond3A_144 = arith.cmpi ne, %convert_element_type3A_142, %cond3A_143 : i32
      scf.if %cond3A_144 {
        %dma_wait3A_311 = arith.constant 0 : i32
        %dma_wait3A_312 = arith.constant 0 : i32
        %dma_wait3A_313 = arith.constant 0 : i32
        %dma_wait3A_314 = tpu.memref_slice %arg8[%dma_wait3A_311, %dma_wait3A_312, %dma_wait3A_313] : memref<2x8x125xi32, #tpu.memory_space<vmem>> -> memref<1x1x125xi32, #tpu.memory_space<vmem>>
        %dma_wait3A_315 = tpu.memref_squeeze %dma_wait3A_314 : memref<1x1x125xi32, #tpu.memory_space<vmem>> -> memref<125xi32, #tpu.memory_space<vmem>>
        %dma_wait3A_316 = arith.constant 0 : i32
        %dma_wait3A_317 = arith.constant 0 : i32
        %dma_wait3A_318 = tpu.memref_slice %arg12[%dma_wait3A_316, %dma_wait3A_317] : memref<10240x128xf32, #tpu.memory_space<vmem_shared>> -> memref<10240x128xf32, #tpu.memory_space<vmem_shared>>
        tpu.wait_indirect_dma semaphore(%arg17 : memref<!tpu.dma_semaphore, #tpu.memory_space<semaphore_mem>>) src(%arg10 : memref<125x128xf32, #tpu.memory_space<vmem>>) dst(%dma_wait3A_318 : memref<10240x128xf32, #tpu.memory_space<vmem_shared>>)
        %dma_wait3A_319 = arith.constant 0 : i32
        %dma_wait3A_320 = arith.constant 0 : i32
        %dma_wait3A_321 = arith.constant 0 : i32
        %dma_wait3A_322 = tpu.memref_slice %arg11[%dma_wait3A_321] : memref<128xf32, #tpu.memory_space<vmem>> -> memref<125xf32, #tpu.memory_space<vmem>>
        %dma_wait3A_323 = arith.constant 0 : i32
        %dma_wait3A_324 = tpu.memref_slice %arg8[%dma_wait3A_319, %dma_wait3A_320, %dma_wait3A_323] : memref<2x8x125xi32, #tpu.memory_space<vmem>> -> memref<1x1x125xi32, #tpu.memory_space<vmem>>
        %dma_wait3A_325 = tpu.memref_squeeze %dma_wait3A_324 : memref<1x1x125xi32, #tpu.memory_space<vmem>> -> memref<125xi32, #tpu.memory_space<vmem>>
        %dma_wait3A_326 = arith.constant 0 : i32
        %dma_wait3A_327 = tpu.memref_slice %arg13[%dma_wait3A_326] : memref<10240xf32, #tpu.memory_space<vmem_shared>> -> memref<10240xf32, #tpu.memory_space<vmem_shared>>
        tpu.wait_indirect_dma semaphore(%arg18 : memref<!tpu.dma_semaphore, #tpu.memory_space<semaphore_mem>>) src(%dma_wait3A_322 : memref<125xf32, #tpu.memory_space<vmem>>) dst(%dma_wait3A_327 : memref<10240xf32, #tpu.memory_space<vmem_shared>>)
      } else {
      }
      %jit3A_145 = arith.constant 8 : i32
      %eq3A_146 = arith.constant 0 : i32
      %eq3A_147 = arith.cmpi eq, %jit3A_145, %eq3A_146 : i32
      %jit3A_148 = arith.constant 1 : i32
      %select_n3A_149 = arith.select %eq3A_147, %jit3A_148, %jit3A_145 : i32
      %rem3A_150 = arith.remsi %add3A_117, %select_n3A_149 : i32
      %ne3A_151 = arith.constant 0 : i32
      %ne3A_152 = arith.cmpi ne, %rem3A_150, %ne3A_151 : i32
      %lt3A = arith.constant 0 : i32
      %lt3A_153 = arith.cmpi slt, %rem3A_150, %lt3A : i32
      %lt3A_154 = arith.constant 0 : i32
      %lt3A_155 = arith.cmpi slt, %select_n3A_149, %lt3A_154 : i32
      %ne3A_156 = arith.xori %lt3A_153, %lt3A_155 : i1
      %and3A_157 = arith.andi %ne3A_156, %ne3A_152 : i1
      %add3A_158 = arith.addi %rem3A_150, %select_n3A_149 : i32
      %select_n3A_159 = arith.select %and3A_157, %add3A_158, %rem3A_150 : i32
      %eq3A_160 = arith.constant 0 : i32
      %eq3A_161 = arith.cmpi eq, %select_n3A_159, %eq3A_160 : i32
      %gt3A = arith.constant 0 : i32
      %gt3A_162 = arith.cmpi sgt, %add3A_117, %gt3A : i32
      %and3A_163 = arith.andi %eq3A_161, %gt3A_162 : i1
      %convert_element_type3A_164 = arith.extui %and3A_163 : i1 to i32
      %cond3A_165 = arith.constant 0 : i32
      %cond3A_166 = arith.cmpi ne, %convert_element_type3A_164, %cond3A_165 : i32
      scf.if %cond3A_166 {
        %mul3A_311 = arith.constant 80 : i32
        %mul3A_312 = arith.muli %add3A, %mul3A_311 : i32
        %dma_wait3A_313 = arith.constant 1 : i32
        %dma_wait3A_314 = arith.constant 0 : i32
        %dma_wait3A_315 = arith.constant 0 : i32
        %dma_wait3A_316 = arith.constant 0 : i32
        %dma_wait3A_317 = tpu.memref_slice %arg8[%dma_wait3A_314, %dma_wait3A_315, %dma_wait3A_316] : memref<2x8x125xi32, #tpu.memory_space<vmem>> -> memref<1x8x125xi32, #tpu.memory_space<vmem>>
        %dma_wait3A_318 = tpu.memref_squeeze %dma_wait3A_317 : memref<1x8x125xi32, #tpu.memory_space<vmem>> -> memref<8x125xi32, #tpu.memory_space<vmem>>
        %dma_wait3A_319 = arith.constant 0 : i32
        %dma_wait3A_320 = tpu.memref_slice %arg3[%dma_wait3A_313, %mul3A_312, %dma_wait3A_319] : memref<2x2560x125xi32, #tpu.memory_space<hbm>> -> memref<1x8x125xi32, #tpu.memory_space<hbm>>
        %dma_wait3A_321 = tpu.memref_squeeze %dma_wait3A_320 : memref<1x8x125xi32, #tpu.memory_space<hbm>> -> memref<8x125xi32, #tpu.memory_space<hbm>>
        %dma_wait3A_322 = arith.constant 0 : i32
        %dma_wait3A_323 = arith.constant 0 : i32
        %dma_wait3A_324 = tpu.memref_slice %arg8[%dma_wait3A_314, %dma_wait3A_322, %dma_wait3A_323] : memref<2x8x125xi32, #tpu.memory_space<vmem>> -> memref<1x8x125xi32, #tpu.memory_space<vmem>>
        %dma_wait3A_325 = tpu.memref_squeeze %dma_wait3A_324 : memref<1x8x125xi32, #tpu.memory_space<vmem>> -> memref<8x125xi32, #tpu.memory_space<vmem>>
        %dma_wait3A_326 = arith.constant 0 : i32
        %dma_wait3A_327 = tpu.memref_slice %arg3[%dma_wait3A_313, %mul3A_312, %dma_wait3A_326] : memref<2x2560x125xi32, #tpu.memory_space<hbm>> -> memref<1x8x125xi32, #tpu.memory_space<hbm>>
        %dma_wait3A_328 = tpu.memref_squeeze %dma_wait3A_327 : memref<1x8x125xi32, #tpu.memory_space<hbm>> -> memref<8x125xi32, #tpu.memory_space<hbm>>
        tpu.wait_dma2 semaphore(%arg19 : memref<!tpu.dma_semaphore, #tpu.memory_space<semaphore_mem>>) src(%dma_wait3A_328 : memref<8x125xi32, #tpu.memory_space<hbm>>) dst(%dma_wait3A_325 : memref<8x125xi32, #tpu.memory_space<vmem>>)
        %add3A_329 = arith.constant 1 : i32
        %add3A_330 = arith.addi %select_n3A, %add3A_329 : i32
        %lt3A_331 = arith.constant 10 : i32
        %lt3A_332 = arith.cmpi slt, %add3A_330, %lt3A_331 : i32
        %convert_element_type3A_333 = arith.extui %lt3A_332 : i1 to i32
        %cond3A_334 = arith.constant 0 : i32
        %cond3A_335 = arith.cmpi ne, %convert_element_type3A_333, %cond3A_334 : i32
        scf.if %cond3A_335 {
          %mul3A_336 = arith.constant 80 : i32
          %mul3A_337 = arith.muli %add3A, %mul3A_336 : i32
          %add3A_338 = arith.constant 1 : i32
          %add3A_339 = arith.addi %select_n3A, %add3A_338 : i32
          %mul3A_340 = arith.constant 8 : i32
          %mul3A_341 = arith.muli %add3A_339, %mul3A_340 : i32
          %add3A_342 = arith.addi %mul3A_337, %mul3A_341 : i32
          %add3A_343 = arith.constant 1 : i32
          %add3A_344 = arith.addi %select_n3A, %add3A_343 : i32
          %jit3A_345 = arith.constant 2 : i32
          %eq3A_346 = arith.constant 0 : i32
          %eq3A_347 = arith.cmpi eq, %jit3A_345, %eq3A_346 : i32
          %jit3A_348 = arith.constant 1 : i32
          %select_n3A_349 = arith.select %eq3A_347, %jit3A_348, %jit3A_345 : i32
          %rem3A_350 = arith.remsi %add3A_344, %select_n3A_349 : i32
          %ne3A_351 = arith.constant 0 : i32
          %ne3A_352 = arith.cmpi ne, %rem3A_350, %ne3A_351 : i32
          %lt3A_353 = arith.constant 0 : i32
          %lt3A_354 = arith.cmpi slt, %rem3A_350, %lt3A_353 : i32
          %lt3A_355 = arith.constant 0 : i32
          %lt3A_356 = arith.cmpi slt, %select_n3A_349, %lt3A_355 : i32
          %ne3A_357 = arith.xori %lt3A_354, %lt3A_356 : i1
          %and3A_358 = arith.andi %ne3A_357, %ne3A_352 : i1
          %add3A_359 = arith.addi %rem3A_350, %select_n3A_349 : i32
          %select_n3A_360 = arith.select %and3A_358, %add3A_359, %rem3A_350 : i32
          %dma_start3A_361 = arith.constant 1 : i32
          %dma_start3A_362 = arith.constant 0 : i32
          %dma_start3A_363 = arith.constant 0 : i32
          %dma_start3A_364 = tpu.memref_slice %arg8[%select_n3A_360, %dma_start3A_362, %dma_start3A_363] : memref<2x8x125xi32, #tpu.memory_space<vmem>> -> memref<1x8x125xi32, #tpu.memory_space<vmem>>
          %dma_start3A_365 = tpu.memref_squeeze %dma_start3A_364 : memref<1x8x125xi32, #tpu.memory_space<vmem>> -> memref<8x125xi32, #tpu.memory_space<vmem>>
          %dma_start3A_366 = arith.constant 0 : i32
          %dma_start3A_367 = tpu.memref_slice %arg3[%dma_start3A_361, %add3A_342, %dma_start3A_366] : memref<2x2560x125xi32, #tpu.memory_space<hbm>> -> memref<1x8x125xi32, #tpu.memory_space<hbm>>
          %dma_start3A_368 = tpu.memref_squeeze %dma_start3A_367 : memref<1x8x125xi32, #tpu.memory_space<hbm>> -> memref<8x125xi32, #tpu.memory_space<hbm>>
          %dma_start3A_369 = arith.constant 0 : i32
          %dma_start3A_370 = arith.constant 0 : i32
          %dma_start3A_371 = tpu.memref_slice %arg8[%select_n3A_360, %dma_start3A_369, %dma_start3A_370] : memref<2x8x125xi32, #tpu.memory_space<vmem>> -> memref<1x8x125xi32, #tpu.memory_space<vmem>>
          %dma_start3A_372 = tpu.memref_squeeze %dma_start3A_371 : memref<1x8x125xi32, #tpu.memory_space<vmem>> -> memref<8x125xi32, #tpu.memory_space<vmem>>
          %dma_start3A_373 = arith.constant 0 : i32
          %dma_start3A_374 = tpu.memref_slice %arg3[%dma_start3A_361, %add3A_342, %dma_start3A_373] : memref<2x2560x125xi32, #tpu.memory_space<hbm>> -> memref<1x8x125xi32, #tpu.memory_space<hbm>>
          %dma_start3A_375 = tpu.memref_squeeze %dma_start3A_374 : memref<1x8x125xi32, #tpu.memory_space<hbm>> -> memref<8x125xi32, #tpu.memory_space<hbm>>
          tpu.enqueue_dma source(%dma_start3A_375 : memref<8x125xi32, #tpu.memory_space<hbm>>) target(%dma_start3A_372 : memref<8x125xi32, #tpu.memory_space<vmem>>) target_semaphore(%arg19 : memref<!tpu.dma_semaphore, #tpu.memory_space<semaphore_mem>>)
        } else {
        }
      } else {
      }
      %add3A_167 = arith.constant 1 : i32
      %add3A_168 = arith.addi %add3A_117, %add3A_167 : i32
      %lt3A_169 = arith.constant 80 : i32
      %lt3A_170 = arith.cmpi slt, %add3A_168, %lt3A_169 : i32
      %convert_element_type3A_171 = arith.extui %lt3A_170 : i1 to i32
      %cond3A_172 = arith.constant 0 : i32
      %cond3A_173 = arith.cmpi ne, %convert_element_type3A_171, %cond3A_172 : i32
      scf.if %cond3A_173 {
        %add3A_311 = arith.constant 1 : i32
        %add3A_312 = arith.addi %add3A_117, %add3A_311 : i32
        %dma_start3A_313 = arith.constant 0 : i32
        %dma_start3A_314 = tpu.memref_slice %arg7[%add3A_312, %dma_start3A_313] : memref<80x125xi32, #tpu.memory_space<vmem>> -> memref<1x125xi32, #tpu.memory_space<vmem>>
        %dma_start3A_315 = tpu.memref_squeeze %dma_start3A_314 : memref<1x125xi32, #tpu.memory_space<vmem>> -> memref<125xi32, #tpu.memory_space<vmem>>
        %dma_start3A_316 = arith.constant 0 : i32
        %dma_start3A_317 = arith.constant 0 : i32
        %dma_start3A_318 = tpu.memref_slice %arg2[%dma_start3A_316, %dma_start3A_317] : memref<10000x128xf32, #tpu.memory_space<hbm>> -> memref<10000x128xf32, #tpu.memory_space<hbm>>
        tpu.enqueue_indirect_dma source(%dma_start3A_318 : memref<10000x128xf32, #tpu.memory_space<hbm>>) target(%arg10 : memref<125x128xf32, #tpu.memory_space<vmem>>) offsets(%dma_start3A_315 : memref<125xi32, #tpu.memory_space<vmem>>) semaphore(%arg15 : memref<!tpu.dma_semaphore, #tpu.memory_space<semaphore_mem>>)
      } else {
      }
      %jit3A_174 = arith.constant 2 : i32
      %eq3A_175 = arith.constant 0 : i32
      %eq3A_176 = arith.cmpi eq, %jit3A_174, %eq3A_175 : i32
      %jit3A_177 = arith.constant 1 : i32
      %select_n3A_178 = arith.select %eq3A_176, %jit3A_177, %jit3A_174 : i32
      %rem3A_179 = arith.remsi %select_n3A, %select_n3A_178 : i32
      %ne3A_180 = arith.constant 0 : i32
      %ne3A_181 = arith.cmpi ne, %rem3A_179, %ne3A_180 : i32
      %lt3A_182 = arith.constant 0 : i32
      %lt3A_183 = arith.cmpi slt, %rem3A_179, %lt3A_182 : i32
      %lt3A_184 = arith.constant 0 : i32
      %lt3A_185 = arith.cmpi slt, %select_n3A_178, %lt3A_184 : i32
      %ne3A_186 = arith.xori %lt3A_183, %lt3A_185 : i1
      %and3A_187 = arith.andi %ne3A_186, %ne3A_181 : i1
      %add3A_188 = arith.addi %rem3A_179, %select_n3A_178 : i32
      %select_n3A_189 = arith.select %and3A_187, %add3A_188, %rem3A_179 : i32
      %jit3A_190 = arith.constant 8 : i32
      %eq3A_191 = arith.constant 0 : i32
      %eq3A_192 = arith.cmpi eq, %jit3A_190, %eq3A_191 : i32
      %jit3A_193 = arith.constant 1 : i32
      %select_n3A_194 = arith.select %eq3A_192, %jit3A_193, %jit3A_190 : i32
      %rem3A_195 = arith.remsi %add3A_117, %select_n3A_194 : i32
      %ne3A_196 = arith.constant 0 : i32
      %ne3A_197 = arith.cmpi ne, %rem3A_195, %ne3A_196 : i32
      %lt3A_198 = arith.constant 0 : i32
      %lt3A_199 = arith.cmpi slt, %rem3A_195, %lt3A_198 : i32
      %lt3A_200 = arith.constant 0 : i32
      %lt3A_201 = arith.cmpi slt, %select_n3A_194, %lt3A_200 : i32
      %ne3A_202 = arith.xori %lt3A_199, %lt3A_201 : i1
      %and3A_203 = arith.andi %ne3A_202, %ne3A_197 : i1
      %add3A_204 = arith.addi %rem3A_195, %select_n3A_194 : i32
      %select_n3A_205 = arith.select %and3A_203, %add3A_204, %rem3A_195 : i32
      %dma_start3A_206 = arith.constant 0 : i32
      %dma_start3A_207 = tpu.memref_slice %arg8[%select_n3A_189, %select_n3A_205, %dma_start3A_206] : memref<2x8x125xi32, #tpu.memory_space<vmem>> -> memref<1x1x125xi32, #tpu.memory_space<vmem>>
      %dma_start3A_208 = tpu.memref_squeeze %dma_start3A_207 : memref<1x1x125xi32, #tpu.memory_space<vmem>> -> memref<125xi32, #tpu.memory_space<vmem>>
      %dma_start3A_209 = arith.constant 0 : i32
      %dma_start3A_210 = arith.constant 0 : i32
      %dma_start3A_211 = tpu.memref_slice %arg12[%dma_start3A_209, %dma_start3A_210] : memref<10240x128xf32, #tpu.memory_space<vmem_shared>> -> memref<10240x128xf32, #tpu.memory_space<vmem_shared>>
      tpu.enqueue_indirect_dma source(%arg9 : memref<125x128xf32, #tpu.memory_space<vmem>>) target(%dma_start3A_211 : memref<10240x128xf32, #tpu.memory_space<vmem_shared>>) offsets(%dma_start3A_208 : memref<125xi32, #tpu.memory_space<vmem>>) semaphore(%arg16 : memref<!tpu.dma_semaphore, #tpu.memory_space<semaphore_mem>>) {add = true}
      %dma_start3A_212 = arith.constant 0 : i32
      %dma_start3A_213 = tpu.memref_slice %arg11[%dma_start3A_212] : memref<128xf32, #tpu.memory_space<vmem>> -> memref<125xf32, #tpu.memory_space<vmem>>
      %dma_start3A_214 = arith.constant 0 : i32
      %dma_start3A_215 = tpu.memref_slice %arg8[%select_n3A_189, %select_n3A_205, %dma_start3A_214] : memref<2x8x125xi32, #tpu.memory_space<vmem>> -> memref<1x1x125xi32, #tpu.memory_space<vmem>>
      %dma_start3A_216 = tpu.memref_squeeze %dma_start3A_215 : memref<1x1x125xi32, #tpu.memory_space<vmem>> -> memref<125xi32, #tpu.memory_space<vmem>>
      %dma_start3A_217 = arith.constant 0 : i32
      %dma_start3A_218 = tpu.memref_slice %arg13[%dma_start3A_217] : memref<10240xf32, #tpu.memory_space<vmem_shared>> -> memref<10240xf32, #tpu.memory_space<vmem_shared>>
      tpu.enqueue_indirect_dma source(%dma_start3A_213 : memref<125xf32, #tpu.memory_space<vmem>>) target(%dma_start3A_218 : memref<10240xf32, #tpu.memory_space<vmem_shared>>) offsets(%dma_start3A_216 : memref<125xi32, #tpu.memory_space<vmem>>) semaphore(%arg18 : memref<!tpu.dma_semaphore, #tpu.memory_space<semaphore_mem>>) {add = true}
      %mul3A_219 = arith.constant 2 : i32
      %mul3A_220 = arith.muli %scan3A_113, %mul3A_219 : i32
      %add3A_221 = arith.constant 1 : i32
      %add3A_222 = arith.addi %mul3A_220, %add3A_221 : i32
      %jit3A_223 = arith.constant 8 : i32
      %div3A_224 = arith.divsi %add3A_222, %jit3A_223 : i32
      %sign3A_225 = arith.constant 0 : i32
      %sign3A_226 = arith.cmpi sgt, %add3A_222, %sign3A_225 : i32
      %sign3A_227 = arith.extui %sign3A_226 : i1 to i32
      %sign3A_228 = arith.constant 0 : i32
      %sign3A_229 = arith.cmpi slt, %add3A_222, %sign3A_228 : i32
      %sign3A_230 = arith.extui %sign3A_229 : i1 to i32
      %sign3A_231 = arith.subi %sign3A_227, %sign3A_230 : i32
      %sign3A_232 = arith.constant 0 : i32
      %sign3A_233 = arith.cmpi sgt, %jit3A_223, %sign3A_232 : i32
      %sign3A_234 = arith.extui %sign3A_233 : i1 to i32
      %sign3A_235 = arith.constant 0 : i32
      %sign3A_236 = arith.cmpi slt, %jit3A_223, %sign3A_235 : i32
      %sign3A_237 = arith.extui %sign3A_236 : i1 to i32
      %sign3A_238 = arith.subi %sign3A_234, %sign3A_237 : i32
      %ne3A_239 = arith.cmpi ne, %sign3A_231, %sign3A_238 : i32
      %rem3A_240 = arith.remsi %add3A_222, %jit3A_223 : i32
      %ne3A_241 = arith.constant 0 : i32
      %ne3A_242 = arith.cmpi ne, %rem3A_240, %ne3A_241 : i32
      %and3A_243 = arith.andi %ne3A_239, %ne3A_242 : i1
      %sub3A_244 = arith.constant 1 : i32
      %sub3A_245 = arith.subi %div3A_224, %sub3A_244 : i32
      %select_n3A_246 = arith.select %and3A_243, %sub3A_245, %div3A_224 : i32
      %dma_wait3A_247 = arith.constant 0 : i32
      %dma_wait3A_248 = arith.constant 0 : i32
      %dma_wait3A_249 = tpu.memref_slice %arg7[%dma_wait3A_247, %dma_wait3A_248] : memref<80x125xi32, #tpu.memory_space<vmem>> -> memref<1x125xi32, #tpu.memory_space<vmem>>
      %dma_wait3A_250 = tpu.memref_squeeze %dma_wait3A_249 : memref<1x125xi32, #tpu.memory_space<vmem>> -> memref<125xi32, #tpu.memory_space<vmem>>
      %dma_wait3A_251 = arith.constant 0 : i32
      %dma_wait3A_252 = arith.constant 0 : i32
      %dma_wait3A_253 = tpu.memref_slice %arg2[%dma_wait3A_251, %dma_wait3A_252] : memref<10000x128xf32, #tpu.memory_space<hbm>> -> memref<10000x128xf32, #tpu.memory_space<hbm>>
      tpu.wait_indirect_dma semaphore(%arg15 : memref<!tpu.dma_semaphore, #tpu.memory_space<semaphore_mem>>) src(%dma_wait3A_253 : memref<10000x128xf32, #tpu.memory_space<hbm>>) dst(%arg10 : memref<125x128xf32, #tpu.memory_space<vmem>>)
      %ge3A_254 = arith.constant 1 : i32
      %ge3A_255 = arith.cmpi sge, %add3A_222, %ge3A_254 : i32
      %convert_element_type3A_256 = arith.extui %ge3A_255 : i1 to i32
      %cond3A_257 = arith.constant 0 : i32
      %cond3A_258 = arith.cmpi ne, %convert_element_type3A_256, %cond3A_257 : i32
      scf.if %cond3A_258 {
        %dma_wait3A_311 = arith.constant 0 : i32
        %dma_wait3A_312 = arith.constant 0 : i32
        %dma_wait3A_313 = arith.constant 0 : i32
        %dma_wait3A_314 = tpu.memref_slice %arg8[%dma_wait3A_311, %dma_wait3A_312, %dma_wait3A_313] : memref<2x8x125xi32, #tpu.memory_space<vmem>> -> memref<1x1x125xi32, #tpu.memory_space<vmem>>
        %dma_wait3A_315 = tpu.memref_squeeze %dma_wait3A_314 : memref<1x1x125xi32, #tpu.memory_space<vmem>> -> memref<125xi32, #tpu.memory_space<vmem>>
        %dma_wait3A_316 = arith.constant 0 : i32
        %dma_wait3A_317 = arith.constant 0 : i32
        %dma_wait3A_318 = tpu.memref_slice %arg12[%dma_wait3A_316, %dma_wait3A_317] : memref<10240x128xf32, #tpu.memory_space<vmem_shared>> -> memref<10240x128xf32, #tpu.memory_space<vmem_shared>>
        tpu.wait_indirect_dma semaphore(%arg16 : memref<!tpu.dma_semaphore, #tpu.memory_space<semaphore_mem>>) src(%arg9 : memref<125x128xf32, #tpu.memory_space<vmem>>) dst(%dma_wait3A_318 : memref<10240x128xf32, #tpu.memory_space<vmem_shared>>)
        %dma_wait3A_319 = arith.constant 0 : i32
        %dma_wait3A_320 = arith.constant 0 : i32
        %dma_wait3A_321 = arith.constant 0 : i32
        %dma_wait3A_322 = tpu.memref_slice %arg11[%dma_wait3A_321] : memref<128xf32, #tpu.memory_space<vmem>> -> memref<125xf32, #tpu.memory_space<vmem>>
        %dma_wait3A_323 = arith.constant 0 : i32
        %dma_wait3A_324 = tpu.memref_slice %arg8[%dma_wait3A_319, %dma_wait3A_320, %dma_wait3A_323] : memref<2x8x125xi32, #tpu.memory_space<vmem>> -> memref<1x1x125xi32, #tpu.memory_space<vmem>>
        %dma_wait3A_325 = tpu.memref_squeeze %dma_wait3A_324 : memref<1x1x125xi32, #tpu.memory_space<vmem>> -> memref<125xi32, #tpu.memory_space<vmem>>
        %dma_wait3A_326 = arith.constant 0 : i32
        %dma_wait3A_327 = tpu.memref_slice %arg13[%dma_wait3A_326] : memref<10240xf32, #tpu.memory_space<vmem_shared>> -> memref<10240xf32, #tpu.memory_space<vmem_shared>>
        tpu.wait_indirect_dma semaphore(%arg18 : memref<!tpu.dma_semaphore, #tpu.memory_space<semaphore_mem>>) src(%dma_wait3A_322 : memref<125xf32, #tpu.memory_space<vmem>>) dst(%dma_wait3A_327 : memref<10240xf32, #tpu.memory_space<vmem_shared>>)
      } else {
      }
      %add3A_259 = arith.constant 1 : i32
      %add3A_260 = arith.addi %add3A_222, %add3A_259 : i32
      %lt3A_261 = arith.constant 80 : i32
      %lt3A_262 = arith.cmpi slt, %add3A_260, %lt3A_261 : i32
      %convert_element_type3A_263 = arith.extui %lt3A_262 : i1 to i32
      %cond3A_264 = arith.constant 0 : i32
      %cond3A_265 = arith.cmpi ne, %convert_element_type3A_263, %cond3A_264 : i32
      scf.if %cond3A_265 {
        %add3A_311 = arith.constant 1 : i32
        %add3A_312 = arith.addi %add3A_222, %add3A_311 : i32
        %dma_start3A_313 = arith.constant 0 : i32
        %dma_start3A_314 = tpu.memref_slice %arg7[%add3A_312, %dma_start3A_313] : memref<80x125xi32, #tpu.memory_space<vmem>> -> memref<1x125xi32, #tpu.memory_space<vmem>>
        %dma_start3A_315 = tpu.memref_squeeze %dma_start3A_314 : memref<1x125xi32, #tpu.memory_space<vmem>> -> memref<125xi32, #tpu.memory_space<vmem>>
        %dma_start3A_316 = arith.constant 0 : i32
        %dma_start3A_317 = arith.constant 0 : i32
        %dma_start3A_318 = tpu.memref_slice %arg2[%dma_start3A_316, %dma_start3A_317] : memref<10000x128xf32, #tpu.memory_space<hbm>> -> memref<10000x128xf32, #tpu.memory_space<hbm>>
        tpu.enqueue_indirect_dma source(%dma_start3A_318 : memref<10000x128xf32, #tpu.memory_space<hbm>>) target(%arg9 : memref<125x128xf32, #tpu.memory_space<vmem>>) offsets(%dma_start3A_315 : memref<125xi32, #tpu.memory_space<vmem>>) semaphore(%arg14 : memref<!tpu.dma_semaphore, #tpu.memory_space<semaphore_mem>>)
      } else {
      }
      %jit3A_266 = arith.constant 2 : i32
      %eq3A_267 = arith.constant 0 : i32
      %eq3A_268 = arith.cmpi eq, %jit3A_266, %eq3A_267 : i32
      %jit3A_269 = arith.constant 1 : i32
      %select_n3A_270 = arith.select %eq3A_268, %jit3A_269, %jit3A_266 : i32
      %rem3A_271 = arith.remsi %select_n3A_246, %select_n3A_270 : i32
      %ne3A_272 = arith.constant 0 : i32
      %ne3A_273 = arith.cmpi ne, %rem3A_271, %ne3A_272 : i32
      %lt3A_274 = arith.constant 0 : i32
      %lt3A_275 = arith.cmpi slt, %rem3A_271, %lt3A_274 : i32
      %lt3A_276 = arith.constant 0 : i32
      %lt3A_277 = arith.cmpi slt, %select_n3A_270, %lt3A_276 : i32
      %ne3A_278 = arith.xori %lt3A_275, %lt3A_277 : i1
      %and3A_279 = arith.andi %ne3A_278, %ne3A_273 : i1
      %add3A_280 = arith.addi %rem3A_271, %select_n3A_270 : i32
      %select_n3A_281 = arith.select %and3A_279, %add3A_280, %rem3A_271 : i32
      %jit3A_282 = arith.constant 8 : i32
      %eq3A_283 = arith.constant 0 : i32
      %eq3A_284 = arith.cmpi eq, %jit3A_282, %eq3A_283 : i32
      %jit3A_285 = arith.constant 1 : i32
      %select_n3A_286 = arith.select %eq3A_284, %jit3A_285, %jit3A_282 : i32
      %rem3A_287 = arith.remsi %add3A_222, %select_n3A_286 : i32
      %ne3A_288 = arith.constant 0 : i32
      %ne3A_289 = arith.cmpi ne, %rem3A_287, %ne3A_288 : i32
      %lt3A_290 = arith.constant 0 : i32
      %lt3A_291 = arith.cmpi slt, %rem3A_287, %lt3A_290 : i32
      %lt3A_292 = arith.constant 0 : i32
      %lt3A_293 = arith.cmpi slt, %select_n3A_286, %lt3A_292 : i32
      %ne3A_294 = arith.xori %lt3A_291, %lt3A_293 : i1
      %and3A_295 = arith.andi %ne3A_294, %ne3A_289 : i1
      %add3A_296 = arith.addi %rem3A_287, %select_n3A_286 : i32
      %select_n3A_297 = arith.select %and3A_295, %add3A_296, %rem3A_287 : i32
      %dma_start3A_298 = arith.constant 0 : i32
      %dma_start3A_299 = tpu.memref_slice %arg8[%select_n3A_281, %select_n3A_297, %dma_start3A_298] : memref<2x8x125xi32, #tpu.memory_space<vmem>> -> memref<1x1x125xi32, #tpu.memory_space<vmem>>
      %dma_start3A_300 = tpu.memref_squeeze %dma_start3A_299 : memref<1x1x125xi32, #tpu.memory_space<vmem>> -> memref<125xi32, #tpu.memory_space<vmem>>
      %dma_start3A_301 = arith.constant 0 : i32
      %dma_start3A_302 = arith.constant 0 : i32
      %dma_start3A_303 = tpu.memref_slice %arg12[%dma_start3A_301, %dma_start3A_302] : memref<10240x128xf32, #tpu.memory_space<vmem_shared>> -> memref<10240x128xf32, #tpu.memory_space<vmem_shared>>
      tpu.enqueue_indirect_dma source(%arg10 : memref<125x128xf32, #tpu.memory_space<vmem>>) target(%dma_start3A_303 : memref<10240x128xf32, #tpu.memory_space<vmem_shared>>) offsets(%dma_start3A_300 : memref<125xi32, #tpu.memory_space<vmem>>) semaphore(%arg17 : memref<!tpu.dma_semaphore, #tpu.memory_space<semaphore_mem>>) {add = true}
      %dma_start3A_304 = arith.constant 0 : i32
      %dma_start3A_305 = tpu.memref_slice %arg11[%dma_start3A_304] : memref<128xf32, #tpu.memory_space<vmem>> -> memref<125xf32, #tpu.memory_space<vmem>>
      %dma_start3A_306 = arith.constant 0 : i32
      %dma_start3A_307 = tpu.memref_slice %arg8[%select_n3A_281, %select_n3A_297, %dma_start3A_306] : memref<2x8x125xi32, #tpu.memory_space<vmem>> -> memref<1x1x125xi32, #tpu.memory_space<vmem>>
      %dma_start3A_308 = tpu.memref_squeeze %dma_start3A_307 : memref<1x1x125xi32, #tpu.memory_space<vmem>> -> memref<125xi32, #tpu.memory_space<vmem>>
      %dma_start3A_309 = arith.constant 0 : i32
      %dma_start3A_310 = tpu.memref_slice %arg13[%dma_start3A_309] : memref<10240xf32, #tpu.memory_space<vmem_shared>> -> memref<10240xf32, #tpu.memory_space<vmem_shared>>
      tpu.enqueue_indirect_dma source(%dma_start3A_305 : memref<125xf32, #tpu.memory_space<vmem>>) target(%dma_start3A_310 : memref<10240xf32, #tpu.memory_space<vmem_shared>>) offsets(%dma_start3A_308 : memref<125xi32, #tpu.memory_space<vmem>>) semaphore(%arg18 : memref<!tpu.dma_semaphore, #tpu.memory_space<semaphore_mem>>) {add = true}
    }
    %scan3A_88 = arith.constant 40 : i32
    %dma_wait3A = arith.constant 0 : i32
    %dma_wait3A_89 = arith.constant 0 : i32
    %dma_wait3A_90 = arith.constant 0 : i32
    %dma_wait3A_91 = tpu.memref_slice %arg8[%dma_wait3A, %dma_wait3A_89, %dma_wait3A_90] : memref<2x8x125xi32, #tpu.memory_space<vmem>> -> memref<1x1x125xi32, #tpu.memory_space<vmem>>
    %dma_wait3A_92 = tpu.memref_squeeze %dma_wait3A_91 : memref<1x1x125xi32, #tpu.memory_space<vmem>> -> memref<125xi32, #tpu.memory_space<vmem>>
    %dma_wait3A_93 = arith.constant 0 : i32
    %dma_wait3A_94 = arith.constant 0 : i32
    %dma_wait3A_95 = tpu.memref_slice %arg12[%dma_wait3A_93, %dma_wait3A_94] : memref<10240x128xf32, #tpu.memory_space<vmem_shared>> -> memref<10240x128xf32, #tpu.memory_space<vmem_shared>>
    tpu.wait_indirect_dma semaphore(%arg17 : memref<!tpu.dma_semaphore, #tpu.memory_space<semaphore_mem>>) src(%arg10 : memref<125x128xf32, #tpu.memory_space<vmem>>) dst(%dma_wait3A_95 : memref<10240x128xf32, #tpu.memory_space<vmem_shared>>)
    %dma_wait3A_96 = arith.constant 0 : i32
    %dma_wait3A_97 = arith.constant 0 : i32
    %dma_wait3A_98 = arith.constant 0 : i32
    %dma_wait3A_99 = tpu.memref_slice %arg11[%dma_wait3A_98] : memref<128xf32, #tpu.memory_space<vmem>> -> memref<125xf32, #tpu.memory_space<vmem>>
    %dma_wait3A_100 = arith.constant 0 : i32
    %dma_wait3A_101 = tpu.memref_slice %arg8[%dma_wait3A_96, %dma_wait3A_97, %dma_wait3A_100] : memref<2x8x125xi32, #tpu.memory_space<vmem>> -> memref<1x1x125xi32, #tpu.memory_space<vmem>>
    %dma_wait3A_102 = tpu.memref_squeeze %dma_wait3A_101 : memref<1x1x125xi32, #tpu.memory_space<vmem>> -> memref<125xi32, #tpu.memory_space<vmem>>
    %dma_wait3A_103 = arith.constant 0 : i32
    %dma_wait3A_104 = tpu.memref_slice %arg13[%dma_wait3A_103] : memref<10240xf32, #tpu.memory_space<vmem_shared>> -> memref<10240xf32, #tpu.memory_space<vmem_shared>>
    tpu.wait_indirect_dma semaphore(%arg18 : memref<!tpu.dma_semaphore, #tpu.memory_space<semaphore_mem>>) src(%dma_wait3A_99 : memref<125xf32, #tpu.memory_space<vmem>>) dst(%dma_wait3A_104 : memref<10240xf32, #tpu.memory_space<vmem_shared>>)
    %barrier3A_105 = arith.constant 0 : index
    tpu.barrier barrier_id(%barrier3A_105)
    "tpu.region"() ({
      %run_scoped3A_113 = tpu.sem_alloc : memref<!tpu.dma_semaphore, #tpu.memory_space<semaphore_mem>>
      %dma_start3A_114 = arith.constant 0 : i32
      %dma_start3A_115 = tpu.memref_slice %arg4[%arg0, %mul3A_13, %dma_start3A_114] : memref<2x10240x128xf32, #tpu.memory_space<hbm>> -> memref<1x640x128xf32, #tpu.memory_space<hbm>>
      %dma_start3A_116 = tpu.memref_squeeze %dma_start3A_115 : memref<1x640x128xf32, #tpu.memory_space<hbm>> -> memref<640x128xf32, #tpu.memory_space<hbm>>
      %dma_start3A_117 = arith.constant 0 : i32
      %dma_start3A_118 = tpu.memref_slice %arg12[%mul3A_13, %dma_start3A_117] : memref<10240x128xf32, #tpu.memory_space<vmem_shared>> -> memref<640x128xf32, #tpu.memory_space<vmem_shared>>
      tpu.enqueue_dma source(%dma_start3A_118 : memref<640x128xf32, #tpu.memory_space<vmem_shared>>) target(%dma_start3A_116 : memref<640x128xf32, #tpu.memory_space<hbm>>) target_semaphore(%run_scoped3A_113 : memref<!tpu.dma_semaphore, #tpu.memory_space<semaphore_mem>>)
      %dma_wait3A_119 = arith.constant 0 : i32
      %dma_wait3A_120 = tpu.memref_slice %arg4[%arg0, %mul3A_13, %dma_wait3A_119] : memref<2x10240x128xf32, #tpu.memory_space<hbm>> -> memref<1x640x128xf32, #tpu.memory_space<hbm>>
      %dma_wait3A_121 = tpu.memref_squeeze %dma_wait3A_120 : memref<1x640x128xf32, #tpu.memory_space<hbm>> -> memref<640x128xf32, #tpu.memory_space<hbm>>
      %dma_wait3A_122 = arith.constant 0 : i32
      %dma_wait3A_123 = tpu.memref_slice %arg12[%mul3A_13, %dma_wait3A_122] : memref<10240x128xf32, #tpu.memory_space<vmem_shared>> -> memref<640x128xf32, #tpu.memory_space<vmem_shared>>
      tpu.wait_dma2 semaphore(%run_scoped3A_113 : memref<!tpu.dma_semaphore, #tpu.memory_space<semaphore_mem>>) src(%dma_wait3A_123 : memref<640x128xf32, #tpu.memory_space<vmem_shared>>) dst(%dma_wait3A_121 : memref<640x128xf32, #tpu.memory_space<hbm>>)
      tpu.yield
    }) : () -> ()
    %eq3A = arith.constant 0 : i32
    %eq3A_106 = arith.cmpi eq, %arg0, %eq3A : i32
    %convert_element_type3A = arith.extui %eq3A_106 : i1 to i32
    %cond3A = arith.constant 0 : i32
    %cond3A_107 = arith.cmpi ne, %convert_element_type3A, %cond3A : i32
    scf.if %cond3A_107 {
      "tpu.region"() ({
        %run_scoped3A_113 = tpu.sem_alloc : memref<!tpu.dma_semaphore, #tpu.memory_space<semaphore_mem>>
        %dma_start3A_114 = tpu.memref_slice %arg5[%mul3A_27] : memref<10240xf32, #tpu.memory_space<hbm>> -> memref<640xf32, #tpu.memory_space<hbm>>
        %dma_start3A_115 = tpu.memref_slice %arg13[%mul3A_27] : memref<10240xf32, #tpu.memory_space<vmem_shared>> -> memref<640xf32, #tpu.memory_space<vmem_shared>>
        tpu.enqueue_dma source(%dma_start3A_115 : memref<640xf32, #tpu.memory_space<vmem_shared>>) target(%dma_start3A_114 : memref<640xf32, #tpu.memory_space<hbm>>) target_semaphore(%run_scoped3A_113 : memref<!tpu.dma_semaphore, #tpu.memory_space<semaphore_mem>>)
        %dma_wait3A_116 = tpu.memref_slice %arg5[%mul3A_27] : memref<10240xf32, #tpu.memory_space<hbm>> -> memref<640xf32, #tpu.memory_space<hbm>>
        %dma_wait3A_117 = tpu.memref_slice %arg13[%mul3A_27] : memref<10240xf32, #tpu.memory_space<vmem_shared>> -> memref<640xf32, #tpu.memory_space<vmem_shared>>
        tpu.wait_dma2 semaphore(%run_scoped3A_113 : memref<!tpu.dma_semaphore, #tpu.memory_space<semaphore_mem>>) src(%dma_wait3A_117 : memref<640xf32, #tpu.memory_space<vmem_shared>>) dst(%dma_wait3A_116 : memref<640xf32, #tpu.memory_space<hbm>>)
        tpu.yield
      }) : () -> ()
    } else {
    }
    %eq3A_108 = arith.constant 1 : i32
    %eq3A_109 = arith.cmpi eq, %arg0, %eq3A_108 : i32
    %convert_element_type3A_110 = arith.extui %eq3A_109 : i1 to i32
    %cond3A_111 = arith.constant 0 : i32
    %cond3A_112 = arith.cmpi ne, %convert_element_type3A_110, %cond3A_111 : i32
    scf.if %cond3A_112 {
      "tpu.region"() ({
        %run_scoped3A_113 = tpu.sem_alloc : memref<!tpu.dma_semaphore, #tpu.memory_space<semaphore_mem>>
        %dma_start3A_114 = tpu.memref_slice %arg6[%mul3A_27] : memref<10240xf32, #tpu.memory_space<hbm>> -> memref<640xf32, #tpu.memory_space<hbm>>
        %dma_start3A_115 = tpu.memref_slice %arg13[%mul3A_27] : memref<10240xf32, #tpu.memory_space<vmem_shared>> -> memref<640xf32, #tpu.memory_space<vmem_shared>>
        tpu.enqueue_dma source(%dma_start3A_115 : memref<640xf32, #tpu.memory_space<vmem_shared>>) target(%dma_start3A_114 : memref<640xf32, #tpu.memory_space<hbm>>) target_semaphore(%run_scoped3A_113 : memref<!tpu.dma_semaphore, #tpu.memory_space<semaphore_mem>>)
        %dma_wait3A_116 = tpu.memref_slice %arg6[%mul3A_27] : memref<10240xf32, #tpu.memory_space<hbm>> -> memref<640xf32, #tpu.memory_space<hbm>>
        %dma_wait3A_117 = tpu.memref_slice %arg13[%mul3A_27] : memref<10240xf32, #tpu.memory_space<vmem_shared>> -> memref<640xf32, #tpu.memory_space<vmem_shared>>
        tpu.wait_dma2 semaphore(%run_scoped3A_113 : memref<!tpu.dma_semaphore, #tpu.memory_space<semaphore_mem>>) src(%dma_wait3A_117 : memref<640xf32, #tpu.memory_space<vmem_shared>>) dst(%dma_wait3A_116 : memref<640xf32, #tpu.memory_space<hbm>>)
        tpu.yield
      }) : () -> ()
    } else {
    }
    return
  }
}

#map = affine_map<(d0, d1) -> (0, 0, 0)>
#map1 = affine_map<(d0, d1) -> (0)>
module attributes {stable_mosaic.version = 14 : i64} {
  func.func @_degrees_kernel(%arg0: i32, %arg1: i32, %arg2: memref<2x2560x125xi32, #tpu.memory_space<hbm>>, %arg3: memref<10240xf32, #tpu.memory_space<hbm>>, %arg4: memref<10240xf32, #tpu.memory_space<hbm>>, %arg5: memref<80x125xi32, #tpu.memory_space<vmem>>, %arg6: memref<128xf32, #tpu.memory_space<vmem>>, %arg7: memref<640xf32, #tpu.memory_space<vmem>>, %arg8: memref<10240xf32, #tpu.memory_space<vmem_shared>>, %arg9: memref<!tpu.dma_semaphore, #tpu.memory_space<semaphore_mem>>) attributes {dimension_semantics = [#tpu.dimension_semantics<core_parallel>, #tpu.dimension_semantics<subcore_parallel>], iteration_bounds = array<i64: 2, 16>, scalar_prefetch = 0 : i64, scratch_operands = 5 : i64, tpu.core_type = #tpu.core_type<sc_vector_subcore>, window_params = [{transform_indices = #map}, {transform_indices = #map1}, {transform_indices = #map1}]} {
    %mul3A = arith.constant 2 : i32
    %mul3A_0 = arith.muli %arg1, %mul3A : i32
    %add3A = arith.addi %mul3A_0, %arg0 : i32
    %scan3A = arith.constant 0 : i32
    %scan3A_1 = arith.constant 0 : i32
    %scan3A_2 = arith.constant 40 : i32
    %scan3A_3 = arith.addi %scan3A_1, %scan3A_2 : i32
    %scan3A_4 = arith.constant 1 : i32
    scf.for %scan3A_61 = %scan3A_1 to %scan3A_3 step %scan3A_4  : i32 {
      %broadcast_in_dim3A = arith.constant 0.000000e+00 : f32
      %broadcast_in_dim3A_62 = vector.broadcast %broadcast_in_dim3A : f32 to vector<16xf32>
      %mul3A_63 = arith.constant 16 : i32
      %mul3A_64 = arith.muli %scan3A_61, %mul3A_63 : i32
      %swap3A = arith.index_cast %mul3A_64 : i32 to index
      %swap3A_65 = tpu.vector_load %arg7[%swap3A] {strides = array<i32>} : memref<640xf32, #tpu.memory_space<vmem>>, vector<16xf32>,
      %swap3A_66 = vector.shape_cast %swap3A_65 : vector<16xf32> to vector<16xf32>
      %swap3A_67 = vector.shape_cast %broadcast_in_dim3A_62 : vector<16xf32> to vector<16xf32>
      tpu.vector_store %arg7[%swap3A], %swap3A_67 {strides = array<i32>} : memref<640xf32, #tpu.memory_space<vmem>>, vector<16xf32>,
    }
    %scan3A_5 = arith.constant 40 : i32
    %scan3A_6 = arith.constant 0 : i32
    %scan3A_7 = arith.constant 0 : i32
    %scan3A_8 = arith.constant 8 : i32
    %scan3A_9 = arith.addi %scan3A_7, %scan3A_8 : i32
    %scan3A_10 = arith.constant 1 : i32
    scf.for %scan3A_61 = %scan3A_7 to %scan3A_9 step %scan3A_10  : i32 {
      %broadcast_in_dim3A = arith.constant 1.000000e+00 : f32
      %broadcast_in_dim3A_62 = vector.broadcast %broadcast_in_dim3A : f32 to vector<16xf32>
      %mul3A_63 = arith.constant 16 : i32
      %mul3A_64 = arith.muli %scan3A_61, %mul3A_63 : i32
      %swap3A = arith.index_cast %mul3A_64 : i32 to index
      %swap3A_65 = tpu.vector_load %arg6[%swap3A] {strides = array<i32>} : memref<128xf32, #tpu.memory_space<vmem>>, vector<16xf32>,
      %swap3A_66 = vector.shape_cast %swap3A_65 : vector<16xf32> to vector<16xf32>
      %swap3A_67 = vector.shape_cast %broadcast_in_dim3A_62 : vector<16xf32> to vector<16xf32>
      tpu.vector_store %arg6[%swap3A], %swap3A_67 {strides = array<i32>} : memref<128xf32, #tpu.memory_space<vmem>>, vector<16xf32>,
    }
    %scan3A_11 = arith.constant 8 : i32
    %mul3A_12 = arith.constant 640 : i32
    %mul3A_13 = arith.muli %arg1, %mul3A_12 : i32
    "tpu.region"() ({
      %run_scoped3A_61 = tpu.sem_alloc : memref<!tpu.dma_semaphore, #tpu.memory_space<semaphore_mem>>
      %dma_start3A = tpu.memref_slice %arg8[%mul3A_13] : memref<10240xf32, #tpu.memory_space<vmem_shared>> -> memref<640xf32, #tpu.memory_space<vmem_shared>>
      %dma_start3A_62 = tpu.memref_slice %arg8[%mul3A_13] : memref<10240xf32, #tpu.memory_space<vmem_shared>> -> memref<640xf32, #tpu.memory_space<vmem_shared>>
      tpu.enqueue_dma source(%arg7 : memref<640xf32, #tpu.memory_space<vmem>>) target(%dma_start3A_62 : memref<640xf32, #tpu.memory_space<vmem_shared>>) target_semaphore(%run_scoped3A_61 : memref<!tpu.dma_semaphore, #tpu.memory_space<semaphore_mem>>)
      %dma_wait3A_63 = tpu.memref_slice %arg8[%mul3A_13] : memref<10240xf32, #tpu.memory_space<vmem_shared>> -> memref<640xf32, #tpu.memory_space<vmem_shared>>
      %dma_wait3A_64 = tpu.memref_slice %arg8[%mul3A_13] : memref<10240xf32, #tpu.memory_space<vmem_shared>> -> memref<640xf32, #tpu.memory_space<vmem_shared>>
      tpu.wait_dma2 semaphore(%run_scoped3A_61 : memref<!tpu.dma_semaphore, #tpu.memory_space<semaphore_mem>>) src(%arg7 : memref<640xf32, #tpu.memory_space<vmem>>) dst(%dma_wait3A_64 : memref<640xf32, #tpu.memory_space<vmem_shared>>)
      tpu.yield
    }) : () -> ()
    %mul3A_14 = arith.constant 80 : i32
    %mul3A_15 = arith.muli %add3A, %mul3A_14 : i32
    %run_scoped3A = arith.constant 0 : i32
    "tpu.region"() ({
      %run_scoped3A_61 = tpu.sem_alloc : memref<!tpu.dma_semaphore, #tpu.memory_space<semaphore_mem>>
      %dma_start3A = arith.constant 0 : i32
      %dma_start3A_62 = tpu.memref_slice %arg2[%run_scoped3A, %mul3A_15, %dma_start3A] : memref<2x2560x125xi32, #tpu.memory_space<hbm>> -> memref<1x80x125xi32, #tpu.memory_space<hbm>>
      %dma_start3A_63 = tpu.memref_squeeze %dma_start3A_62 : memref<1x80x125xi32, #tpu.memory_space<hbm>> -> memref<80x125xi32, #tpu.memory_space<hbm>>
      %dma_start3A_64 = arith.constant 0 : i32
      %dma_start3A_65 = tpu.memref_slice %arg2[%run_scoped3A, %mul3A_15, %dma_start3A_64] : memref<2x2560x125xi32, #tpu.memory_space<hbm>> -> memref<1x80x125xi32, #tpu.memory_space<hbm>>
      %dma_start3A_66 = tpu.memref_squeeze %dma_start3A_65 : memref<1x80x125xi32, #tpu.memory_space<hbm>> -> memref<80x125xi32, #tpu.memory_space<hbm>>
      tpu.enqueue_dma source(%dma_start3A_66 : memref<80x125xi32, #tpu.memory_space<hbm>>) target(%arg5 : memref<80x125xi32, #tpu.memory_space<vmem>>) target_semaphore(%run_scoped3A_61 : memref<!tpu.dma_semaphore, #tpu.memory_space<semaphore_mem>>)
      %dma_wait3A_67 = arith.constant 0 : i32
      %dma_wait3A_68 = tpu.memref_slice %arg2[%run_scoped3A, %mul3A_15, %dma_wait3A_67] : memref<2x2560x125xi32, #tpu.memory_space<hbm>> -> memref<1x80x125xi32, #tpu.memory_space<hbm>>
      %dma_wait3A_69 = tpu.memref_squeeze %dma_wait3A_68 : memref<1x80x125xi32, #tpu.memory_space<hbm>> -> memref<80x125xi32, #tpu.memory_space<hbm>>
      %dma_wait3A_70 = arith.constant 0 : i32
      %dma_wait3A_71 = tpu.memref_slice %arg2[%run_scoped3A, %mul3A_15, %dma_wait3A_70] : memref<2x2560x125xi32, #tpu.memory_space<hbm>> -> memref<1x80x125xi32, #tpu.memory_space<hbm>>
      %dma_wait3A_72 = tpu.memref_squeeze %dma_wait3A_71 : memref<1x80x125xi32, #tpu.memory_space<hbm>> -> memref<80x125xi32, #tpu.memory_space<hbm>>
      tpu.wait_dma2 semaphore(%run_scoped3A_61 : memref<!tpu.dma_semaphore, #tpu.memory_space<semaphore_mem>>) src(%dma_wait3A_72 : memref<80x125xi32, #tpu.memory_space<hbm>>) dst(%arg5 : memref<80x125xi32, #tpu.memory_space<vmem>>)
      tpu.yield
    }) : () -> ()
    %barrier3A = arith.constant 0 : index
    tpu.barrier barrier_id(%barrier3A)
    %scan3A_16 = arith.constant 0 : i32
    %scan3A_17 = arith.constant 0 : i32
    %scan3A_18 = arith.constant 80 : i32
    %scan3A_19 = arith.addi %scan3A_17, %scan3A_18 : i32
    %scan3A_20 = arith.constant 1 : i32
    scf.for %scan3A_61 = %scan3A_17 to %scan3A_19 step %scan3A_20  : i32 {
      %ge3A = arith.constant 4 : i32
      %ge3A_62 = arith.cmpi sge, %scan3A_61, %ge3A : i32
      %convert_element_type3A_63 = arith.extui %ge3A_62 : i1 to i32
      %cond3A_64 = arith.constant 0 : i32
      %cond3A_65 = arith.cmpi ne, %convert_element_type3A_63, %cond3A_64 : i32
      scf.if %cond3A_65 {
        %dma_wait3A_72 = arith.constant 0 : i32
        %dma_wait3A_73 = arith.constant 0 : i32
        %dma_wait3A_74 = tpu.memref_slice %arg6[%dma_wait3A_73] : memref<128xf32, #tpu.memory_space<vmem>> -> memref<125xf32, #tpu.memory_space<vmem>>
        %dma_wait3A_75 = arith.constant 0 : i32
        %dma_wait3A_76 = tpu.memref_slice %arg5[%dma_wait3A_72, %dma_wait3A_75] : memref<80x125xi32, #tpu.memory_space<vmem>> -> memref<1x125xi32, #tpu.memory_space<vmem>>
        %dma_wait3A_77 = tpu.memref_squeeze %dma_wait3A_76 : memref<1x125xi32, #tpu.memory_space<vmem>> -> memref<125xi32, #tpu.memory_space<vmem>>
        %dma_wait3A_78 = arith.constant 0 : i32
        %dma_wait3A_79 = tpu.memref_slice %arg8[%dma_wait3A_78] : memref<10240xf32, #tpu.memory_space<vmem_shared>> -> memref<10240xf32, #tpu.memory_space<vmem_shared>>
        tpu.wait_indirect_dma semaphore(%arg9 : memref<!tpu.dma_semaphore, #tpu.memory_space<semaphore_mem>>) src(%dma_wait3A_74 : memref<125xf32, #tpu.memory_space<vmem>>) dst(%dma_wait3A_79 : memref<10240xf32, #tpu.memory_space<vmem_shared>>)
      } else {
      }
      %dma_start3A = arith.constant 0 : i32
      %dma_start3A_66 = tpu.memref_slice %arg6[%dma_start3A] : memref<128xf32, #tpu.memory_space<vmem>> -> memref<125xf32, #tpu.memory_space<vmem>>
      %dma_start3A_67 = arith.constant 0 : i32
      %dma_start3A_68 = tpu.memref_slice %arg5[%scan3A_61, %dma_start3A_67] : memref<80x125xi32, #tpu.memory_space<vmem>> -> memref<1x125xi32, #tpu.memory_space<vmem>>
      %dma_start3A_69 = tpu.memref_squeeze %dma_start3A_68 : memref<1x125xi32, #tpu.memory_space<vmem>> -> memref<125xi32, #tpu.memory_space<vmem>>
      %dma_start3A_70 = arith.constant 0 : i32
      %dma_start3A_71 = tpu.memref_slice %arg8[%dma_start3A_70] : memref<10240xf32, #tpu.memory_space<vmem_shared>> -> memref<10240xf32, #tpu.memory_space<vmem_shared>>
      tpu.enqueue_indirect_dma source(%dma_start3A_66 : memref<125xf32, #tpu.memory_space<vmem>>) target(%dma_start3A_71 : memref<10240xf32, #tpu.memory_space<vmem_shared>>) offsets(%dma_start3A_69 : memref<125xi32, #tpu.memory_space<vmem>>) semaphore(%arg9 : memref<!tpu.dma_semaphore, #tpu.memory_space<semaphore_mem>>) {add = true}
    }
    %scan3A_21 = arith.constant 80 : i32
    %dma_wait3A = arith.constant 0 : i32
    %dma_wait3A_22 = arith.constant 0 : i32
    %dma_wait3A_23 = tpu.memref_slice %arg6[%dma_wait3A_22] : memref<128xf32, #tpu.memory_space<vmem>> -> memref<125xf32, #tpu.memory_space<vmem>>
    %dma_wait3A_24 = arith.constant 0 : i32
    %dma_wait3A_25 = tpu.memref_slice %arg5[%dma_wait3A, %dma_wait3A_24] : memref<80x125xi32, #tpu.memory_space<vmem>> -> memref<1x125xi32, #tpu.memory_space<vmem>>
    %dma_wait3A_26 = tpu.memref_squeeze %dma_wait3A_25 : memref<1x125xi32, #tpu.memory_space<vmem>> -> memref<125xi32, #tpu.memory_space<vmem>>
    %dma_wait3A_27 = arith.constant 0 : i32
    %dma_wait3A_28 = tpu.memref_slice %arg8[%dma_wait3A_27] : memref<10240xf32, #tpu.memory_space<vmem_shared>> -> memref<10240xf32, #tpu.memory_space<vmem_shared>>
    tpu.wait_indirect_dma semaphore(%arg9 : memref<!tpu.dma_semaphore, #tpu.memory_space<semaphore_mem>>) src(%dma_wait3A_23 : memref<125xf32, #tpu.memory_space<vmem>>) dst(%dma_wait3A_28 : memref<10240xf32, #tpu.memory_space<vmem_shared>>)
    %dma_wait3A_29 = arith.constant 0 : i32
    %dma_wait3A_30 = arith.constant 0 : i32
    %dma_wait3A_31 = tpu.memref_slice %arg6[%dma_wait3A_30] : memref<128xf32, #tpu.memory_space<vmem>> -> memref<125xf32, #tpu.memory_space<vmem>>
    %dma_wait3A_32 = arith.constant 0 : i32
    %dma_wait3A_33 = tpu.memref_slice %arg5[%dma_wait3A_29, %dma_wait3A_32] : memref<80x125xi32, #tpu.memory_space<vmem>> -> memref<1x125xi32, #tpu.memory_space<vmem>>
    %dma_wait3A_34 = tpu.memref_squeeze %dma_wait3A_33 : memref<1x125xi32, #tpu.memory_space<vmem>> -> memref<125xi32, #tpu.memory_space<vmem>>
    %dma_wait3A_35 = arith.constant 0 : i32
    %dma_wait3A_36 = tpu.memref_slice %arg8[%dma_wait3A_35] : memref<10240xf32, #tpu.memory_space<vmem_shared>> -> memref<10240xf32, #tpu.memory_space<vmem_shared>>
    tpu.wait_indirect_dma semaphore(%arg9 : memref<!tpu.dma_semaphore, #tpu.memory_space<semaphore_mem>>) src(%dma_wait3A_31 : memref<125xf32, #tpu.memory_space<vmem>>) dst(%dma_wait3A_36 : memref<10240xf32, #tpu.memory_space<vmem_shared>>)
    %dma_wait3A_37 = arith.constant 0 : i32
    %dma_wait3A_38 = arith.constant 0 : i32
    %dma_wait3A_39 = tpu.memref_slice %arg6[%dma_wait3A_38] : memref<128xf32, #tpu.memory_space<vmem>> -> memref<125xf32, #tpu.memory_space<vmem>>
    %dma_wait3A_40 = arith.constant 0 : i32
    %dma_wait3A_41 = tpu.memref_slice %arg5[%dma_wait3A_37, %dma_wait3A_40] : memref<80x125xi32, #tpu.memory_space<vmem>> -> memref<1x125xi32, #tpu.memory_space<vmem>>
    %dma_wait3A_42 = tpu.memref_squeeze %dma_wait3A_41 : memref<1x125xi32, #tpu.memory_space<vmem>> -> memref<125xi32, #tpu.memory_space<vmem>>
    %dma_wait3A_43 = arith.constant 0 : i32
    %dma_wait3A_44 = tpu.memref_slice %arg8[%dma_wait3A_43] : memref<10240xf32, #tpu.memory_space<vmem_shared>> -> memref<10240xf32, #tpu.memory_space<vmem_shared>>
    tpu.wait_indirect_dma semaphore(%arg9 : memref<!tpu.dma_semaphore, #tpu.memory_space<semaphore_mem>>) src(%dma_wait3A_39 : memref<125xf32, #tpu.memory_space<vmem>>) dst(%dma_wait3A_44 : memref<10240xf32, #tpu.memory_space<vmem_shared>>)
    %dma_wait3A_45 = arith.constant 0 : i32
    %dma_wait3A_46 = arith.constant 0 : i32
    %dma_wait3A_47 = tpu.memref_slice %arg6[%dma_wait3A_46] : memref<128xf32, #tpu.memory_space<vmem>> -> memref<125xf32, #tpu.memory_space<vmem>>
    %dma_wait3A_48 = arith.constant 0 : i32
    %dma_wait3A_49 = tpu.memref_slice %arg5[%dma_wait3A_45, %dma_wait3A_48] : memref<80x125xi32, #tpu.memory_space<vmem>> -> memref<1x125xi32, #tpu.memory_space<vmem>>
    %dma_wait3A_50 = tpu.memref_squeeze %dma_wait3A_49 : memref<1x125xi32, #tpu.memory_space<vmem>> -> memref<125xi32, #tpu.memory_space<vmem>>
    %dma_wait3A_51 = arith.constant 0 : i32
    %dma_wait3A_52 = tpu.memref_slice %arg8[%dma_wait3A_51] : memref<10240xf32, #tpu.memory_space<vmem_shared>> -> memref<10240xf32, #tpu.memory_space<vmem_shared>>
    tpu.wait_indirect_dma semaphore(%arg9 : memref<!tpu.dma_semaphore, #tpu.memory_space<semaphore_mem>>) src(%dma_wait3A_47 : memref<125xf32, #tpu.memory_space<vmem>>) dst(%dma_wait3A_52 : memref<10240xf32, #tpu.memory_space<vmem_shared>>)
    %barrier3A_53 = arith.constant 0 : index
    tpu.barrier barrier_id(%barrier3A_53)
    %eq3A = arith.constant 0 : i32
    %eq3A_54 = arith.cmpi eq, %arg0, %eq3A : i32
    %convert_element_type3A = arith.extui %eq3A_54 : i1 to i32
    %cond3A = arith.constant 0 : i32
    %cond3A_55 = arith.cmpi ne, %convert_element_type3A, %cond3A : i32
    scf.if %cond3A_55 {
      "tpu.region"() ({
        %run_scoped3A_61 = tpu.sem_alloc : memref<!tpu.dma_semaphore, #tpu.memory_space<semaphore_mem>>
        %dma_start3A = tpu.memref_slice %arg8[%mul3A_13] : memref<10240xf32, #tpu.memory_space<vmem_shared>> -> memref<640xf32, #tpu.memory_space<vmem_shared>>
        %dma_start3A_62 = tpu.memref_slice %arg8[%mul3A_13] : memref<10240xf32, #tpu.memory_space<vmem_shared>> -> memref<640xf32, #tpu.memory_space<vmem_shared>>
        tpu.enqueue_dma source(%dma_start3A_62 : memref<640xf32, #tpu.memory_space<vmem_shared>>) target(%arg7 : memref<640xf32, #tpu.memory_space<vmem>>) target_semaphore(%run_scoped3A_61 : memref<!tpu.dma_semaphore, #tpu.memory_space<semaphore_mem>>)
        %dma_wait3A_63 = tpu.memref_slice %arg8[%mul3A_13] : memref<10240xf32, #tpu.memory_space<vmem_shared>> -> memref<640xf32, #tpu.memory_space<vmem_shared>>
        %dma_wait3A_64 = tpu.memref_slice %arg8[%mul3A_13] : memref<10240xf32, #tpu.memory_space<vmem_shared>> -> memref<640xf32, #tpu.memory_space<vmem_shared>>
        tpu.wait_dma2 semaphore(%run_scoped3A_61 : memref<!tpu.dma_semaphore, #tpu.memory_space<semaphore_mem>>) src(%dma_wait3A_64 : memref<640xf32, #tpu.memory_space<vmem_shared>>) dst(%arg7 : memref<640xf32, #tpu.memory_space<vmem>>)
        tpu.yield
      }) : () -> ()
      "tpu.region"() ({
        %run_scoped3A_61 = tpu.sem_alloc : memref<!tpu.dma_semaphore, #tpu.memory_space<semaphore_mem>>
        %dma_start3A = tpu.memref_slice %arg3[%mul3A_13] : memref<10240xf32, #tpu.memory_space<hbm>> -> memref<640xf32, #tpu.memory_space<hbm>>
        %dma_start3A_62 = tpu.memref_slice %arg3[%mul3A_13] : memref<10240xf32, #tpu.memory_space<hbm>> -> memref<640xf32, #tpu.memory_space<hbm>>
        tpu.enqueue_dma source(%arg7 : memref<640xf32, #tpu.memory_space<vmem>>) target(%dma_start3A_62 : memref<640xf32, #tpu.memory_space<hbm>>) target_semaphore(%run_scoped3A_61 : memref<!tpu.dma_semaphore, #tpu.memory_space<semaphore_mem>>)
        %dma_wait3A_63 = tpu.memref_slice %arg3[%mul3A_13] : memref<10240xf32, #tpu.memory_space<hbm>> -> memref<640xf32, #tpu.memory_space<hbm>>
        %dma_wait3A_64 = tpu.memref_slice %arg3[%mul3A_13] : memref<10240xf32, #tpu.memory_space<hbm>> -> memref<640xf32, #tpu.memory_space<hbm>>
        tpu.wait_dma2 semaphore(%run_scoped3A_61 : memref<!tpu.dma_semaphore, #tpu.memory_space<semaphore_mem>>) src(%arg7 : memref<640xf32, #tpu.memory_space<vmem>>) dst(%dma_wait3A_64 : memref<640xf32, #tpu.memory_space<hbm>>)
        tpu.yield
      }) : () -> ()
    } else {
    }
    %eq3A_56 = arith.constant 1 : i32
    %eq3A_57 = arith.cmpi eq, %arg0, %eq3A_56 : i32
    %convert_element_type3A_58 = arith.extui %eq3A_57 : i1 to i32
    %cond3A_59 = arith.constant 0 : i32
    %cond3A_60 = arith.cmpi ne, %convert_element_type3A_58, %cond3A_59 : i32
    scf.if %cond3A_60 {
      "tpu.region"() ({
        %run_scoped3A_61 = tpu.sem_alloc : memref<!tpu.dma_semaphore, #tpu.memory_space<semaphore_mem>>
        %dma_start3A = tpu.memref_slice %arg8[%mul3A_13] : memref<10240xf32, #tpu.memory_space<vmem_shared>> -> memref<640xf32, #tpu.memory_space<vmem_shared>>
        %dma_start3A_62 = tpu.memref_slice %arg8[%mul3A_13] : memref<10240xf32, #tpu.memory_space<vmem_shared>> -> memref<640xf32, #tpu.memory_space<vmem_shared>>
        tpu.enqueue_dma source(%dma_start3A_62 : memref<640xf32, #tpu.memory_space<vmem_shared>>) target(%arg7 : memref<640xf32, #tpu.memory_space<vmem>>) target_semaphore(%run_scoped3A_61 : memref<!tpu.dma_semaphore, #tpu.memory_space<semaphore_mem>>)
        %dma_wait3A_63 = tpu.memref_slice %arg8[%mul3A_13] : memref<10240xf32, #tpu.memory_space<vmem_shared>> -> memref<640xf32, #tpu.memory_space<vmem_shared>>
        %dma_wait3A_64 = tpu.memref_slice %arg8[%mul3A_13] : memref<10240xf32, #tpu.memory_space<vmem_shared>> -> memref<640xf32, #tpu.memory_space<vmem_shared>>
        tpu.wait_dma2 semaphore(%run_scoped3A_61 : memref<!tpu.dma_semaphore, #tpu.memory_space<semaphore_mem>>) src(%dma_wait3A_64 : memref<640xf32, #tpu.memory_space<vmem_shared>>) dst(%arg7 : memref<640xf32, #tpu.memory_space<vmem>>)
        tpu.yield
      }) : () -> ()
      "tpu.region"() ({
        %run_scoped3A_61 = tpu.sem_alloc : memref<!tpu.dma_semaphore, #tpu.memory_space<semaphore_mem>>
        %dma_start3A = tpu.memref_slice %arg4[%mul3A_13] : memref<10240xf32, #tpu.memory_space<hbm>> -> memref<640xf32, #tpu.memory_space<hbm>>
        %dma_start3A_62 = tpu.memref_slice %arg4[%mul3A_13] : memref<10240xf32, #tpu.memory_space<hbm>> -> memref<640xf32, #tpu.memory_space<hbm>>
        tpu.enqueue_dma source(%arg7 : memref<640xf32, #tpu.memory_space<vmem>>) target(%dma_start3A_62 : memref<640xf32, #tpu.memory_space<hbm>>) target_semaphore(%run_scoped3A_61 : memref<!tpu.dma_semaphore, #tpu.memory_space<semaphore_mem>>)
        %dma_wait3A_63 = tpu.memref_slice %arg4[%mul3A_13] : memref<10240xf32, #tpu.memory_space<hbm>> -> memref<640xf32, #tpu.memory_space<hbm>>
        %dma_wait3A_64 = tpu.memref_slice %arg4[%mul3A_13] : memref<10240xf32, #tpu.memory_space<hbm>> -> memref<640xf32, #tpu.memory_space<hbm>>
        tpu.wait_dma2 semaphore(%run_scoped3A_61 : memref<!tpu.dma_semaphore, #tpu.memory_space<semaphore_mem>>) src(%arg7 : memref<640xf32, #tpu.memory_space<vmem>>) dst(%dma_wait3A_64 : memref<640xf32, #tpu.memory_space<hbm>>)
        tpu.yield
      }) : () -> ()
    } else {
    }
    return
  }
}

module attributes {stable_mosaic.version = 14 : i64} {
  func.func @_feat_body(%arg0: i32, %arg1: memref<2048xf32, #tpu.memory_space<vmem>>, %arg2: memref<2048xf32, #tpu.memory_space<vmem>>, %arg3: memref<2048x128xf32, #tpu.memory_space<vmem>>, %arg4: memref<2048x128xf32, #tpu.memory_space<vmem>>) attributes {dimension_semantics = [#tpu.dimension_semantics<arbitrary>], iteration_bounds = array<i64: 5>, scalar_prefetch = 0 : i64, scratch_operands = 0 : i64, tpu.core_type = #tpu.core_type<tc>, window_params = [{transform_indices = @transform_0, window_bounds = array<i64: 2048>}, {transform_indices = @transform_1, window_bounds = array<i64: 2048>}, {transform_indices = @transform_2, window_bounds = array<i64: 2048, 128>}, {transform_indices = @transform_3, window_bounds = array<i64: 2048, 128>}]} {
    %get3A = arith.constant 0 : index
    %get3A_0 = vector.load %arg1[%get3A] : memref<2048xf32, #tpu.memory_space<vmem>>, vector<2048xf32>
    %get3A_1 = arith.constant 0 : index
    %get3A_2 = vector.load %arg2[%get3A_1] : memref<2048xf32, #tpu.memory_space<vmem>>, vector<2048xf32>
    %add3A = arith.addf %get3A_0, %get3A_2 : vector<2048xf32>
    %max3A = arith.constant 1.000000e+00 : f32
    %max3A_3 = vector.broadcast %max3A : f32 to vector<2048xf32>
    %max3A_4 = arith.maximumf %add3A, %max3A_3 : vector<2048xf32>
    %rsqrt3A = math.rsqrt %max3A_4 : vector<2048xf32>
    %get3A_5 = arith.constant 0 : index
    %get3A_6 = arith.constant 0 : index
    %get3A_7 = vector.load %arg3[%get3A_5, %get3A_6] : memref<2048x128xf32, #tpu.memory_space<vmem>>, vector<2048x128xf32>
    %broadcast_in_dim3A = vector.shape_cast %rsqrt3A : vector<2048xf32> to vector<2048x1xf32>
    %mul3A = vector.broadcast %broadcast_in_dim3A : vector<2048x1xf32> to vector<2048x128xf32>
    %mul3A_8 = arith.mulf %get3A_7, %mul3A : vector<2048x128xf32>
    %swap3A = arith.constant 0 : index
    %swap3A_9 = arith.constant 0 : index
    %swap3A_10 = vector.load %arg4[%swap3A, %swap3A_9] : memref<2048x128xf32, #tpu.memory_space<vmem>>, vector<2048x128xf32>
    tpu.vector_store %arg4[%swap3A, %swap3A_9], %mul3A_8 {strides = array<i32>} : memref<2048x128xf32, #tpu.memory_space<vmem>>, vector<2048x128xf32>,
    return
  }
  func.func @transform_0(%arg0: i32) -> i32 {
    %c0_i32 = arith.constant 0 : i32
    return %arg0 : i32
  }
  func.func @transform_1(%arg0: i32) -> i32 {
    %c0_i32 = arith.constant 0 : i32
    return %arg0 : i32
  }
  func.func @transform_2(%arg0: i32) -> (i32, i32) {
    %c0_i32 = arith.constant 0 : i32
    %c0_i32_0 = arith.constant 0 : i32
    return %arg0, %c0_i32 : i32, i32
  }
  func.func @transform_3(%arg0: i32) -> (i32, i32) {
    %c0_i32 = arith.constant 0 : i32
    %c0_i32_0 = arith.constant 0 : i32
    return %arg0, %c0_i32 : i32, i32
  }
}

module attributes {stable_mosaic.version = 14 : i64} {
  func.func @_out_body(%arg0: i32, %arg1: memref<2x2048x128xf32, #tpu.memory_space<vmem>>, %arg2: memref<2048xf32, #tpu.memory_space<vmem>>, %arg3: memref<2048xf32, #tpu.memory_space<vmem>>, %arg4: memref<2048x128xf32, #tpu.memory_space<vmem>>, %arg5: memref<128x128xf32, #tpu.memory_space<vmem>>, %arg6: memref<1x128xf32, #tpu.memory_space<vmem>>, %arg7: memref<2048x128xf32, #tpu.memory_space<vmem>>) attributes {dimension_semantics = [#tpu.dimension_semantics<arbitrary>], iteration_bounds = array<i64: 5>, scalar_prefetch = 0 : i64, scratch_operands = 0 : i64, tpu.core_type = #tpu.core_type<tc>, window_params = [{transform_indices = @transform_0, window_bounds = array<i64: 2, 2048, 128>}, {transform_indices = @transform_1, window_bounds = array<i64: 2048>}, {transform_indices = @transform_2, window_bounds = array<i64: 2048>}, {transform_indices = @transform_3, window_bounds = array<i64: 2048, 128>}, {pipeline_mode = #tpu.pipeline_mode<synchronous>, transform_indices = @transform_4, window_bounds = array<i64: 128, 128>}, {pipeline_mode = #tpu.pipeline_mode<synchronous>, transform_indices = @transform_5, window_bounds = array<i64: 1, 128>}, {transform_indices = @transform_6, window_bounds = array<i64: 2048, 128>}]} {
    %get3A = arith.constant 0 : index
    %get3A_0 = arith.constant 0 : index
    %get3A_1 = arith.constant 0 : index
    %get3A_2 = vector.load %arg1[%get3A, %get3A_0, %get3A_1] : memref<2x2048x128xf32, #tpu.memory_space<vmem>>, vector<1x2048x128xf32>
    %get3A_3 = vector.shape_cast %get3A_2 : vector<1x2048x128xf32> to vector<2048x128xf32>
    %get3A_4 = arith.constant 1 : index
    %get3A_5 = arith.constant 0 : index
    %get3A_6 = arith.constant 0 : index
    %get3A_7 = vector.load %arg1[%get3A_4, %get3A_5, %get3A_6] : memref<2x2048x128xf32, #tpu.memory_space<vmem>>, vector<1x2048x128xf32>
    %get3A_8 = vector.shape_cast %get3A_7 : vector<1x2048x128xf32> to vector<2048x128xf32>
    %add3A = arith.addf %get3A_3, %get3A_8 : vector<2048x128xf32>
    %get3A_9 = arith.constant 0 : index
    %get3A_10 = vector.load %arg2[%get3A_9] : memref<2048xf32, #tpu.memory_space<vmem>>, vector<2048xf32>
    %get3A_11 = arith.constant 0 : index
    %get3A_12 = vector.load %arg3[%get3A_11] : memref<2048xf32, #tpu.memory_space<vmem>>, vector<2048xf32>
    %add3A_13 = arith.addf %get3A_10, %get3A_12 : vector<2048xf32>
    %max3A = arith.constant 1.000000e+00 : f32
    %max3A_14 = vector.broadcast %max3A : f32 to vector<2048xf32>
    %max3A_15 = arith.maximumf %add3A_13, %max3A_14 : vector<2048xf32>
    %rsqrt3A = math.rsqrt %max3A_15 : vector<2048xf32>
    %broadcast_in_dim3A = vector.shape_cast %rsqrt3A : vector<2048xf32> to vector<2048x1xf32>
    %mul3A = vector.broadcast %broadcast_in_dim3A : vector<2048x1xf32> to vector<2048x128xf32>
    %mul3A_16 = arith.mulf %add3A, %mul3A : vector<2048x128xf32>
    %get3A_17 = arith.constant 0 : index
    %get3A_18 = arith.constant 0 : index
    %get3A_19 = vector.load %arg5[%get3A_17, %get3A_18] : memref<128x128xf32, #tpu.memory_space<vmem>>, vector<128x128xf32>
    %dot_general3A = arith.constant dense<0.000000e+00> : vector<2048x128xf32>
    %dot_general3A_20 = tpu.matmul %mul3A_16, %get3A_19, %dot_general3A {dimension_numbers = #tpu.dot_dimension_numbers<[1], [0], [0], [1], [0, 0, 1, 1], [], []>, transpose_lhs_hint = false} : vector<2048x128xf32>, vector<128x128xf32>, vector<2048x128xf32> -> vector<2048x128xf32>
    %get3A_21 = arith.constant 0 : index
    %get3A_22 = arith.constant 0 : index
    %get3A_23 = vector.load %arg6[%get3A_21, %get3A_22] : memref<1x128xf32, #tpu.memory_space<vmem>>, vector<1x128xf32>
    %add3A_24 = vector.broadcast %get3A_23 : vector<1x128xf32> to vector<2048x128xf32>
    %add3A_25 = arith.addf %dot_general3A_20, %add3A_24 : vector<2048x128xf32>
    %gt3A = arith.constant 0.000000e+00 : f32
    %gt3A_26 = vector.broadcast %gt3A : f32 to vector<2048x128xf32>
    %gt3A_27 = arith.cmpf ogt, %add3A_25, %gt3A_26 : vector<2048x128xf32>
    %mul3A_28 = arith.constant 0.00999999977 : f32
    %mul3A_29 = vector.broadcast %mul3A_28 : f32 to vector<2048x128xf32>
    %mul3A_30 = arith.mulf %mul3A_29, %add3A_25 : vector<2048x128xf32>
    %select_n3A = arith.select %gt3A_27, %add3A_25, %mul3A_30 : vector<2048x128xi1>, vector<2048x128xf32>
    %get3A_31 = arith.constant 0 : index
    %get3A_32 = arith.constant 0 : index
    %get3A_33 = vector.load %arg4[%get3A_31, %get3A_32] : memref<2048x128xf32, #tpu.memory_space<vmem>>, vector<2048x128xf32>
    %add3A_34 = arith.addf %select_n3A, %get3A_33 : vector<2048x128xf32>
    %swap3A = arith.constant 0 : index
    %swap3A_35 = arith.constant 0 : index
    %swap3A_36 = vector.load %arg7[%swap3A, %swap3A_35] : memref<2048x128xf32, #tpu.memory_space<vmem>>, vector<2048x128xf32>
    tpu.vector_store %arg7[%swap3A, %swap3A_35], %add3A_34 {strides = array<i32>} : memref<2048x128xf32, #tpu.memory_space<vmem>>, vector<2048x128xf32>,
    return
  }
  func.func @transform_0(%arg0: i32) -> (i32, i32, i32) {
    %c0_i32 = arith.constant 0 : i32
    %c0_i32_0 = arith.constant 0 : i32
    %c0_i32_1 = arith.constant 0 : i32
    return %c0_i32, %arg0, %c0_i32_0 : i32, i32, i32
  }
  func.func @transform_1(%arg0: i32) -> i32 {
    %c0_i32 = arith.constant 0 : i32
    return %arg0 : i32
  }
  func.func @transform_2(%arg0: i32) -> i32 {
    %c0_i32 = arith.constant 0 : i32
    return %arg0 : i32
  }
  func.func @transform_3(%arg0: i32) -> (i32, i32) {
    %c0_i32 = arith.constant 0 : i32
    %c0_i32_0 = arith.constant 0 : i32
    return %arg0, %c0_i32 : i32, i32
  }
  func.func @transform_4(%arg0: i32) -> (i32, i32) {
    %c0_i32 = arith.constant 0 : i32
    %c0_i32_0 = arith.constant 0 : i32
    %c0_i32_1 = arith.constant 0 : i32
    return %c0_i32, %c0_i32_0 : i32, i32
  }
  func.func @transform_5(%arg0: i32) -> (i32, i32) {
    %c0_i32 = arith.constant 0 : i32
    %c0_i32_0 = arith.constant 0 : i32
    %c0_i32_1 = arith.constant 0 : i32
    return %c0_i32, %c0_i32_0 : i32, i32
  }
  func.func @transform_6(%arg0: i32) -> (i32, i32) {
    %c0_i32 = arith.constant 0 : i32
    %c0_i32_0 = arith.constant 0 : i32
    return %arg0, %c0_i32 : i32, i32
  }
}

</mosaic_0001>

<sc_bundles>
// kernel: kernel.6.cloned.1.call-start
scs
__scs_entry_jumppad:
0x0: {  	(pc) =	sbr.rel $0x88, $3  }
0x1: {  	(tag) =	ssettag $0x0;
	lr =	simm.s32 $0x1  }
0x2: {  	[smem:$0x3F9D] =	sst lr;
	_ =	strace $0xD0000000  }
0x3: {  	_ = 	snop  }
0x4: {  	_ = 	snop  }
0x5: {  	_ = 	snop  }
0x6: {  	_ = 	snop  }
0x7: {  	_ = 	snop  }
__scs_overlays_trampoline_lowered:
0x8: {  	[smem:$0x3FAC] =	sst s0  }
0x9: {  	[smem:$0x3FAD] =	sst s1  }
0xa: {  	[smem:$0x3FAE] =	sst s2  }
0xb: {  	[smem:$0x3FAF] =	sst s3  }
0xc: {  	[smem:$0x3FB0] =	sst s4  }
0xd: {  	[smem:$0x3FB1] =	sst s5  }
0xe: {  	[smem:$0x3FB2] =	sst s6  }
0xf: {  	[smem:$0x3FB3] =	sst s7  }
0x10: {  	[smem:$0x3FB4] =	sst s8  }
0x11: {  	[smem:$0x3FB5] =	sst s9;
	s0 =	simm.s32 @!p0 $0x0  }
0x12: {  	s1 =	sld [smem:$0x3F9B];
	s0 =	simm.s32 @p0 $0x1  }
0x13: {  	[smem:$0x3FB6] =	sst s0;
	s0 =	simm.s32 @!p1 $0x0  }
0x14: {  	s2 =	sld [smem:$0x3F9A];
	s0 =	simm.s32 @p1 $0x1  }
0x15: {  	[smem:$0x3FB7] =	sst s0;
	s0 =	simm.s32 @!p2 $0x0  }
0x16: {  	s3 =	sld [smem:$0x3FDB];
	s0 =	simm.s32 @p2 $0x1  }
0x17: {  	s4 =	simm.s32 $0x1BF5;
	[smem:$0x3FB9] =	sst s0  }
0x18: {  	s0 =	sld [smem:$0x3F9C];
	_ =	swait.ge [sflag:s4], $0x0  }
0x19: {  	s7 =	sld [smem:$0x3F9D]  }
0x1a: {  	s8 =	sadd.s32 $0xFFFFE003, lr  }
0x1b: {  	s9 =	sadd.s32 $0xFFFFFEF7, lr;
	s5 =	simm.s32 $0xFFFFFFFF;
	p2 =	slt.u32 s8, $0xFFFFF086  }
0x1c: {  	p1 =	slt.u32 s9, $0xF7A;
	s5 =	simm.s32 @!p2 $0x0  }
0x1d: {  	s5 =	simm.s32 @p1 $0x1;
	p0 =	seq.s32 s7, s2  }
0x1e: {  	s7 =	smul.u32 @!p0 $0xF7A, s2;
	p2 =	seq.s32 @!p0 s5, $0x0  }
0x1f: {  	s9 =	smul.u32 $0xF7A, s1;
	s8 =	simm.s32 @!p0 $0x1BF5;
	p2 =	por !p2, p0  }
0x20: {  	[sflag:s8] =	ssyncset.s32 @!p0 $0xFFFFF086;
	s6 =	sadd.s32 @!p0 s3, s7;
	s7 =	simm.s32 @!p0 $0x108  }
0x21: {  	s3 =	sadd.s32 s3, s9;
	s6 =	sadd.s32 @!p0 $0x88, s6;
	s7 =	simm.s32 @p2 $0x1082  }
0x22: {  	[simem:s7], [sflag:s8] =	dma.local @!p0 [hbm:s6], $0xF7A  }
0x23: {  	s9 =	sor.u32 $0xD0000000, s2;
	s6 =	simm.s32 $0x108;
	_ =	swait.ge @!p0 [sflag:s8], $0x0  }
0x24: {  	s3 =	sadd.s32 $0x88, s3;
	s6 =	simm.s32 @!p1 $0x1082;
	[sflag:s4] =	ssyncset.s32 $0xFFFFF086  }
0x25: {  	[simem:s6], [sflag:s4] =	dma.local [hbm:s3], $0xF7A  }
0x26: {  	[smem:$0x3F9D] =	sst s1;
	(tag) =	ssettag s2;
	_ =	strace s9  }
0x27: {  	s1 =	sld [smem:$0x3FAD]  }
0x28: {  	s2 =	sld [smem:$0x3FAE]  }
0x29: {  	s4 =	sld [smem:$0x3FB0]  }
0x2a: {  	p0 =	seq.s32 s5, $0x0;
	s5 =	sld [smem:$0x3FB1]  }
0x2b: {  	s6 =	sld [smem:$0x3FB2]  }
0x2c: {  	s7 =	sld [smem:$0x3FB3]  }
0x2d: {  	s3 =	simm.s32 $0x108;
	s8 =	sld [smem:$0x3FB4]  }
0x2e: {  	s3 =	simm.s32 @!p0 $0x1082;
	s9 =	sld [smem:$0x3FB5]  }
0x2f: {  	lr =	sadd.s32 s0, s3;
	s0 =	sld [smem:$0x3FAC]  }
0x30: {  	s3 =	sld [smem:$0x3FAF]  }
0x31: {  	[smem:$0x3FB8] =	sst s10  }
0x32: {  	s10 =	sld [smem:$0x3FB6];
	_ =	sdelay $0x3  }
0x33: {  	p0 =	seq.s32 s10, $0x1;
	s10 =	sld [smem:$0x3FB8];
	_ =	sdelay $0x3  }
0x34: {  	[smem:$0x3FB8] =	sst s10  }
0x35: {  	s10 =	sld [smem:$0x3FB7];
	_ =	sdelay $0x3  }
0x36: {  	p1 =	seq.s32 s10, $0x1;
	s10 =	sld [smem:$0x3FB8];
	_ =	sdelay $0x3  }
0x37: {  	[smem:$0x3FB8] =	sst s10  }
0x38: {  	s10 =	sld [smem:$0x3FB9]  }
0x39: {  	_ = 	snop;
	(pc) =	sbr.ind lr, $3  }
0x3a: {  	_ = 	snop  }
0x3b: {  	_ = 	snop  }
0x3c: {  	p2 =	seq.s32 s10, $0x1;
	s10 =	sld [smem:$0x3FB8]  }
0x3d: {  	_ =	shalt  }
0x3e: {  	_ =	shalt  }
0x3f: {  	_ =	shalt  }
0x40: {  	_ =	shalt  }
0x41: {  	_ =	shalt  }
0x42: {  	_ =	shalt  }
0x43: {  	_ =	shalt  }
0x44: {  	_ =	shalt  }
0x45: {  	_ =	shalt  }
0x46: {  	_ =	shalt  }
0x47: {  	_ =	shalt  }
0x48: {  	_ =	shalt  }
0x49: {  	_ =	shalt  }
0x4a: {  	_ =	shalt  }
0x4b: {  	_ =	shalt  }
0x4c: {  	_ =	shalt  }
0x4d: {  	_ =	shalt  }
0x4e: {  	_ =	shalt  }
0x4f: {  	_ =	shalt  }
0x50: {  	_ =	shalt  }
0x51: {  	_ =	shalt  }
0x52: {  	_ =	shalt  }
0x53: {  	_ =	shalt  }
0x54: {  	_ =	shalt  }
0x55: {  	_ =	shalt  }
0x56: {  	_ =	shalt  }
0x57: {  	_ =	shalt  }
0x58: {  	_ =	shalt  }
0x59: {  	_ =	shalt  }
0x5a: {  	_ =	shalt  }
0x5b: {  	_ =	shalt  }
0x5c: {  	_ =	shalt  }
0x5d: {  	_ =	shalt  }
0x5e: {  	_ =	shalt  }
0x5f: {  	_ =	shalt  }
0x60: {  	_ =	shalt  }
0x61: {  	_ =	shalt  }
0x62: {  	_ =	shalt  }
0x63: {  	_ =	shalt  }
0x64: {  	_ =	shalt  }
0x65: {  	_ =	shalt  }
0x66: {  	_ =	shalt  }
0x67: {  	_ =	shalt  }
0x68: {  	_ =	shalt  }
0x69: {  	_ =	shalt  }
0x6a: {  	_ =	shalt  }
0x6b: {  	_ =	shalt  }
0x6c: {  	_ =	shalt  }
0x6d: {  	_ =	shalt  }
0x6e: {  	_ =	shalt  }
0x6f: {  	_ =	shalt  }
0x70: {  	_ =	shalt  }
0x71: {  	_ =	shalt  }
0x72: {  	_ =	shalt  }
0x73: {  	_ =	shalt  }
0x74: {  	_ =	shalt  }
0x75: {  	_ =	shalt  }
0x76: {  	_ =	shalt  }
0x77: {  	_ =	shalt  }
0x78: {  	_ =	shalt  }
0x79: {  	_ =	shalt  }
0x7a: {  	_ =	shalt  }
0x7b: {  	_ =	shalt  }
0x7c: {  	_ =	shalt  }
0x7d: {  	_ =	shalt  }
0x7e: {  	_ =	shalt  }
0x7f: {  	_ =	shalt  }
0x80: {  	_ =	shalt  }
0x81: {  	_ =	shalt  }
0x82: {  	_ =	shalt  }
0x83: {  	_ =	shalt  }
0x84: {  	_ =	shalt  }
0x85: {  	_ =	shalt  }
0x86: {  	_ =	shalt  }
0x87: {  	_ =	shalt  }
.Lfunc_end0:
.L_simem_size_0:
called_computation_lowered:
.L_overlay_start_0:
0x88: {  	s2 =	sld [smem:$0x3FD9]  }
0x89: {  	s3 =	sld [smem:$0x3FFE];
	_ =	sdelay $0x1  }
0x8a: {  	s1 =	srdreg.scid  }
0x8b: {  	s0 =	sand.u32 $0x1, s1  }
0x8c: {  	s17 =	sshll.u32 s0, $0xA;
	s2 =	sadd.s32 s3, s2  }
0x8d: {  	s2 =	sadd.s32 s2, s17  }
0x8e: {  	[smem:$0x3FC4] =	sst s2  }
0x8f: {  	_ = 	snop  }
0x90: {  	s2 =	sld [smem:$0x3FD0];
	(tm) =	ssettm $0x1  }
0x91: {  	s18 =	sld [smem:$0x3FFB];
	_ =	sdelay $0x3  }
0x92: {  	_ =	strace s18  }
0x93: {  	s3 =	sld [smem:$0x3FFC];
	_ =	sdelay $0x3  }
0x94: {  	_ =	strace s3  }
0x95: {  	s3 =	sld [smem:$0x3FFD];
	_ =	sdelay $0x3  }
0x96: {  	_ =	strace s3  }
0x97: {  	_ =	strace $0x8FFFFFFF  }
0x98: {  	s19 =	sld [smem:$0x3FDB];
	_ =	sdelay $0x1  }
0x99: {  	s4 =	simm.s32 $_scs_section_size  }
0x9a: {  	s5 =	simm.s32 $_size__tile_overlayer_lowered;
	s6 =	simm.s32 $_tile_overlayer_lowered  }
0x9b: {  	s22 =	simm.s32 $0x1BFF;
	s21 =	sshll.u32 s6, $0x1;
	s3 =	sadd.s32 s4, s19  }
0x9c: {  	s7 =	simm.s32 $0x0;
	s20 =	sshll.u32 s5, $0x1;
	s5 =	sadd.s32 s21, s3  }
0x9d: {  	[timem:s7], [sflag:s22] =	dma.local [hbm:s5], s20  }
0x9e: {  	_ =	swait.ge [sflag:s22], s20  }
0x9f: {  	s4 =	ssub.s32 $0x0, s20;
	[sflag:s22] =	ssyncset.done $0x0  }
0xa0: {  	[sflag:s22] =	ssyncadd.s32 s4;
	_ =	sdelay $0x1  }
0xa1: {  	s23 =	simm.s32 $0x1B8B  }
0xa2: {  	_ =	swait.ge [sflag:s23], $0x1  }
0xa3: {  	[sflag:s23] =	ssyncset.done $0x0  }
0xa4: {  	s25 =	simm.s32 $0x1B8E;
	s24 =	sld [smem:$0x3FFE];
	[sflag:s23] =	ssyncadd.s32 $0xFFFFFFFF  }
0xa5: {  	s26 =	simm.s32 $execute0_lowered;
	[smem:$0x3FD2] =	sst s25  }
0xa6: {  	s5 =	sshll.u32 s26, $0x1;
	_ =	strace $0x80000046;
	[dreg:$0x1] =	wrdreg $0xFFFFFFFF  }
0xa7: {  	s28 =	simm.s32 $_size_execute0_lowered;
	s3 =	sadd.s32 s3, s5;
	[dreg:$0x0] =	wrdreg $0x0  }
0xa8: {  	s5 =	sshll.u32 s28, $0x1;
	[dreg:$0x2] =	wrdreg s3  }
0xa9: {  	[dreg:$0x3] =	wrdreg s5  }
0xaa: {  	[dreg:$0x4] =	wrdreg $0xC0  }
0xab: {  	_ =	task [dreg:s7], $0x5FFFF  }
0xac: {  	[dreg:$0x1] =	wrdreg $0xFFFFFFFF  }
0xad: {  	[dreg:$0x0] =	wrdreg $0x60  }
0xae: {  	[dreg:$0x2] =	wrdreg s24  }
0xaf: {  	[dreg:$0x3] =	wrdreg s2  }
0xb0: {  	[dreg:$0x4] =	wrdreg $0x2B000  }
0xb1: {  	[dreg:$0x5] =	wrdreg $0x9  }
0xb2: {  	_ =	task.clear_ibuf [dreg:s7], $0x6FFFF;
	_ =	strace $0x90000046  }
0xb3: {  	s29 =	simm.s32 $0x9;
	_ =	strace $0x80000048  }
0xb4: {  	_ =	swait.ge [sflag:s29], $0x1  }
0xb5: {  	[sflag:s29] =	ssyncadd.s32 $0xFFFFFFFF  }
0xb6: {  	_ =	strace $0x90000048  }
0xb7: {  	_ =	sfence  }
0xb8: {  	s30 =	sld [smem:$0x0];
	_ =	sdelay $0x2  }
0xb9: {  	s31 =	sshll.u32 s1, $0xD;
	s1 =	sshrl.u32 s1, $0x2  }
0xba: {  	s3 =	sand.u32 $0x4000, s31;
	s1 =	sadd.s32 s1, s30  }
0xbb: {  	s0 =	sor.u32 s3, s0;
	s1 =	sshll.u32 s1, $0x11  }
0xbc: {  	s0 =	sor.u32 s1, s0  }
0xbd: {  	s0 =	sadd.s32 $0x8F2B, s0  }
0xbe: {  	[sflag:s0] =	ssyncadd.remote.s32 $0x1  }
0xbf: {  	_ =	sfence.sel $0xFFFF  }
0xc0: {  	[dreg:$0x0] =	wrdreg $0xFFFFFFFF;
	(pc) =	sbr.abs _section_cstart, $3  }
0xc1: {  	[dreg:$0x1] =	wrdreg $0xFFFFFFFF  }
0xc2: {  	_ =	task.clear_ibuf [dreg:s7], $0x2FFFF;
	_ =	strace $0x9FFFFFFF  }
0xc3: {  	(tm) =	ssettm $0x7FFFFFFF  }
tec
execute0_lowered:
.L_overlay_start_1:
0x0: {  	(tag) =	ssettag $0x1  }
0x1: {  	s4 =	rddreg [dreg:$0x0]  }
0x2: {  	s7 =	rddreg [dreg:$0x1];
	s1 =	srdreg.scid  }
0x3: {  	s0 =	stileid.u32;
	s2 =	rddreg [dreg:$0x2]  }
0x4: {  	s3 =	simm.s32 $0x0;
	s12 =	simm.s32 $0x80;
	s13 =	simm.s32 $0x100  }
0x5: {  	s14 =	simm.s32 $0x180;
	s15 =	simm.s32 $0x1;
	s16 =	simm.s32 $0x0  }
0x6: {  	s5 =	sand.u32 $0x1, s1;
	s6 =	sshll.u32 s0, $0x1;
	s1 =	rddreg [dreg:$0x3]  }
0x7: {  	[smem:$0x7FF] =	sst s3;
	s10 =	smul.u32 $0x280, s0;
	s11 =	sadd.s32 $0x16800, s4  }
0x8: {  	s6 =	sor.u32 s5, s6;
	_ =	strace $0x80000047;
	s8 =	ssub.s32 $0x2, s5  }
0x9: {  	p0 =	seq.s32 s5, $0x1;
	s6 =	smul.u32 $0x500, s6;
	s9 =	sshrl.u32 s8, $0x1  }
0xa: {  	s31 =	sshrl.u32 s10, $0x3;
	s7 =	smov.u32 @p0 s11;
	s11 =	simm.s32 $0x2800  }
0xb: {  	s8 =	ssub.s32 s8, s9;
	s7 =	sadd.s32 s7, s31;
	s9 =	simm.s32 $0x2  }
0xc: {  	s6 =	sadd.s32 s6, s4;
	s4 =	sadd.s32 s10, s2;
	s10 =	simm.s32 $0x7D  }
0xd: {  	v0 =	vimm.f32 $0.0e+00;
	v1 =	vimm.f32 $1.000000000e+00;
	s5 =	sadd.s32 $0x2800, s6;
	s6 =	smax.u32 s8, $0x1;
	s8 =	simm.s32 $0x2880  }
.LBB2_1:
0xe: {  	[tilespmem:$0x2880] =	vst v0  }
0xf: {  	[tilespmem:$0x2890] =	vst v0  }
0x10: {  	[tilespmem:$0x28A0] =	vst v0  }
0x11: {  	[tilespmem:$0x28B0] =	vst v0  }
0x12: {  	[tilespmem:$0x28C0] =	vst v0  }
0x13: {  	[tilespmem:$0x28D0] =	vst v0  }
0x14: {  	[tilespmem:$0x28E0] =	vst v0  }
0x15: {  	[tilespmem:$0x28F0] =	vst v0  }
0x16: {  	[tilespmem:$0x2900] =	vst v0  }
0x17: {  	[tilespmem:$0x2910] =	vst v0  }
0x18: {  	[tilespmem:$0x2920] =	vst v0  }
0x19: {  	[tilespmem:$0x2930] =	vst v0  }
0x1a: {  	[tilespmem:$0x2940] =	vst v0  }
0x1b: {  	[tilespmem:$0x2950] =	vst v0  }
0x1c: {  	[tilespmem:$0x2960] =	vst v0  }
0x1d: {  	[tilespmem:$0x2970] =	vst v0  }
0x1e: {  	[tilespmem:$0x2980] =	vst v0  }
0x1f: {  	[tilespmem:$0x2990] =	vst v0  }
0x20: {  	[tilespmem:$0x29A0] =	vst v0  }
0x21: {  	[tilespmem:$0x29B0] =	vst v0  }
0x22: {  	[tilespmem:$0x29C0] =	vst v0  }
0x23: {  	[tilespmem:$0x29D0] =	vst v0  }
0x24: {  	[tilespmem:$0x29E0] =	vst v0  }
0x25: {  	[tilespmem:$0x29F0] =	vst v0  }
0x26: {  	[tilespmem:$0x2A00] =	vst v0  }
0x27: {  	[tilespmem:$0x2A10] =	vst v0  }
0x28: {  	[tilespmem:$0x2A20] =	vst v0  }
0x29: {  	[tilespmem:$0x2A30] =	vst v0  }
0x2a: {  	[tilespmem:$0x2A40] =	vst v0  }
0x2b: {  	[tilespmem:$0x2A50] =	vst v0  }
0x2c: {  	[tilespmem:$0x2A60] =	vst v0  }
0x2d: {  	[tilespmem:$0x2A70] =	vst v0  }
0x2e: {  	[tilespmem:$0x2A80] =	vst v0  }
0x2f: {  	[tilespmem:$0x2A90] =	vst v0  }
0x30: {  	[tilespmem:$0x2AA0] =	vst v0  }
0x31: {  	[tilespmem:$0x2AB0] =	vst v0  }
0x32: {  	[tilespmem:$0x2AC0] =	vst v0  }
0x33: {  	[tilespmem:$0x2AD0] =	vst v0  }
0x34: {  	[tilespmem:$0x2AE0] =	vst v0  }
0x35: {  	[tilespmem:$0x2AF0] =	vst v0  }
0x36: {  	[tilespmem:$0x2800] =	vst v1  }
0x37: {  	[tilespmem:$0x2810] =	vst v1  }
0x38: {  	[tilespmem:$0x2820] =	vst v1  }
0x39: {  	[tilespmem:$0x2830] =	vst v1  }
0x3a: {  	[tilespmem:$0x2840] =	vst v1  }
0x3b: {  	[tilespmem:$0x2850] =	vst v1  }
0x3c: {  	[tilespmem:$0x2860] =	vst v1  }
0x3d: {  	[tilespmem:$0x2870] =	vst v1  }
0x3e: {  	[spmem:s4] =	stream.linear.scatter [tilespmem:s8], [sflag:$0x2], $0x280, $0x38;
	[tilespmem:$0x2D80] =	vst v63  }
0x3f: {  	_ =	swait.ge [sflag:s9], $0x280  }
0x40: {  	[sflag:s9] =	ssyncset.done $0x0  }
0x41: {  	[sflag:s9] =	ssyncadd.s32 $0xFFFFFD80  }
0x42: {  	[tilespmem:s3], [sflag:$0x2] =	stream.linear.gather [hbm4b:s5+s3], $0x2800, $0x38;
	[tilespmem:$0x2D80] =	vst v63  }
0x43: {  	_ =	swait.ge [sflag:s9], $0x2800  }
0x44: {  	[sflag:s9] =	ssyncset.done $0x0  }
0x45: {  	[sflag:s9] =	ssyncadd.s32 $0xFFFFD800  }
0x46: {  	[bflag:$0x0] =	sbarrier.arrive $0xFFFF  }
0x47: {  	[spmem:s2] =	stream.indirect.scatter.add.f32 [tilespmem:s11], [sflag:$0x1], $0x1, s3, s10, $0xb8;
	[tilespmem:$0x2D80] =	vst v63  }
0x48: {  	_ = 	snop  }
0x49: {  	[spmem:s2] =	stream.indirect.scatter.add.f32 [tilespmem:s11], [sflag:$0x1], $0x1, s12, s10, $0xb8;
	[tilespmem:$0x2D80] =	vst v63  }
0x4a: {  	_ = 	snop  }
0x4b: {  	[spmem:s2] =	stream.indirect.scatter.add.f32 [tilespmem:s11], [sflag:$0x1], $0x1, s13, s10, $0xb8;
	[tilespmem:$0x2D80] =	vst v63  }
0x4c: {  	_ = 	snop  }
0x4d: {  	[spmem:s2] =	stream.indirect.scatter.add.f32 [tilespmem:s11], [sflag:$0x1], $0x1, s14, s10, $0xb8;
	[tilespmem:$0x2D80] =	vst v63  }
0x4e: {  	_ =	swait.ge [sflag:s15], $0x7D  }
0x4f: {  	[sflag:s15] =	ssyncset.done $0x0  }
0x50: {  	s17 =	simm.s32 $0xA00;
	s18 =	simm.s32 $0x200;
	[sflag:s15] =	ssyncadd.s32 $0xFFFFFF83  }
.LBB2_2:
0x51: {  	[spmem:s2] =	stream.indirect.scatter.add.f32 [tilespmem:s11], [sflag:$0x1], $0x1, s18, s10, $0xb8;
	[tilespmem:$0x2D80] =	vst v63  }
0x52: {  	s18 =	smov.u32 s17;
	p0 =	sne.s32 s17, $0x9E00  }
.Ltmp0:
0x53: {  	s17 =	sadd.s32 $0x200, s17;
	(pc) =	sbr.rel @p0 .LBB2_2-.Ltmp0, $4  }
0x54: {  	_ = 	snop  }
0x55: {  	_ =	swait.ge [sflag:s15], $0x7D  }
0x56: {  	[sflag:s15] =	ssyncset.done $0x0  }
0x57: {  	s18 =	sshra.s32 s18, $0x2;
	[sflag:s15] =	ssyncadd.s32 $0xFFFFFF83  }
0x58: {  	[spmem:s2] =	stream.indirect.scatter.add.f32 [tilespmem:s11], [sflag:$0x1], $0x1, s18, s10, $0xb8;
	[tilespmem:$0x2D80] =	vst v63  }
0x59: {  	_ =	swait.ge [sflag:s15], $0x7D  }
0x5a: {  	[sflag:s15] =	ssyncset.done $0x0  }
0x5b: {  	[sflag:s15] =	ssyncadd.s32 $0xFFFFFF83  }
0x5c: {  	_ =	swait.ge [sflag:s15], $0x7D  }
0x5d: {  	[sflag:s15] =	ssyncset.done $0x0  }
0x5e: {  	[sflag:s15] =	ssyncadd.s32 $0xFFFFFF83  }
0x5f: {  	_ =	swait.ge [sflag:s15], $0x7D  }
0x60: {  	[sflag:s15] =	ssyncset.done $0x0  }
0x61: {  	[sflag:s15] =	ssyncadd.s32 $0xFFFFFF83  }
0x62: {  	_ =	swait.ge [sflag:s15], $0x7D  }
0x63: {  	[sflag:s15] =	ssyncset.done $0x0  }
0x64: {  	[sflag:s15] =	ssyncadd.s32 $0xFFFFFF83  }
0x65: {  	[bflag:$0x0] =	sbarrier.arrive $0xFFFF  }
0x66: {  	[tilespmem:s8], [sflag:$0x2] =	stream.linear.gather [spmem:s4], $0x280, $0x38;
	[tilespmem:$0x2D80] =	vst v63  }
0x67: {  	s16 =	sadd.s32 $0x1, s16;
	_ =	swait.ge [sflag:s9], $0x280  }
0x68: {  	p0 =	sne.s32 s16, s6;
	[sflag:s9] =	ssyncset.done $0x0  }
.Ltmp1:
0x69: {  	[sflag:s9] =	ssyncadd.s32 $0xFFFFFD80;
	(pc) =	sbr.rel @p0 .LBB2_1-.Ltmp1, $4  }
0x6a: {  	[hbm4b:s7+s3] =	stream.linear.scatter [tilespmem:s8], [sflag:$0x2], $0x280, $0x38;
	[tilespmem:$0x2D80] =	vst v63  }
0x6b: {  	_ =	swait.ge [sflag:s9], $0x280  }
0x6c: {  	[sflag:s9] =	ssyncset.done $0x0  }
0x6d: {  	[sflag:s9] =	ssyncadd.s32 $0xFFFFFD80  }
0x6e: {  	_ =	sfence.sel $0x180000  }
0x6f: {  	[bflag:$0x0] =	sbarrier.arrive $0xFFFF  }
0x70: {  	p0 =	sne.s32 s0, $0x0;
	_ =	strace $0x90000047  }
0x71: {  	s0 =	sadd.s32 @!p0 $0x100000, s1;
	[bflag:$0x2] =	sbarrier.arrive $0xFFFF  }
0x72: {  	[sflag:s0] =	ssyncadd.tile.s32 @!p0 $0x1;
	_ =	shalt  }
.Lfunc_end2:
_tile_overlayer_lowered:
.L_overlay_start_2:
0x73: {  	(tag) =	ssettag $0x2  }
0x74: {  	s0 =	rddreg [dreg:$0x0];
	s2 =	stileid.u32  }
0x75: {  	s1 =	rddreg [dreg:$0x1];
	p0 =	sne.s32 s2, $0x0  }
0x76: {  	s3 =	rddreg [dreg:$0x2];
	[bflag:$0x3] =	sbarrier.arrive $0xFFFF;
	s2 =	simm.s32 @!p0 $0x1C02  }
0x77: {  	[timem:s3], [sflag:s2] =	dma.local @!p0 [hbm:s0], s1  }
0x78: {  	s0 =	simm.s32 @!p0 $0x2  }
0x79: {  	_ =	swait.ge @!p0 [sflag:s0], s1  }
0x7a: {  	s1 =	ssub.s32 @!p0 $0x0, s1;
	[sflag:s0] =	ssyncset.done @!p0 $0x0  }
0x7b: {  	[sflag:s0] =	ssyncadd.s32 @!p0 s1  }
0x7c: {  	[bflag:$0x3] =	sbarrier.arrive $0xFFFF  }
0x7d: {  	_ =	shalt  }

// kernel: kernel.9.cloned.1.call-start
scs
__scs_entry_jumppad:
0x0: {  	(pc) =	sbr.rel $0x88, $3  }
0x1: {  	(tag) =	ssettag $0x0;
	lr =	simm.s32 $0x1  }
0x2: {  	[smem:$0x3F9D] =	sst lr;
	_ =	strace $0xD0000000  }
0x3: {  	_ = 	snop  }
0x4: {  	_ = 	snop  }
0x5: {  	_ = 	snop  }
0x6: {  	_ = 	snop  }
0x7: {  	_ = 	snop  }
__scs_overlays_trampoline_lowered:
0x8: {  	[smem:$0x3FAC] =	sst s0  }
0x9: {  	[smem:$0x3FAD] =	sst s1  }
0xa: {  	[smem:$0x3FAE] =	sst s2  }
0xb: {  	[smem:$0x3FAF] =	sst s3  }
0xc: {  	[smem:$0x3FB0] =	sst s4  }
0xd: {  	[smem:$0x3FB1] =	sst s5  }
0xe: {  	[smem:$0x3FB2] =	sst s6  }
0xf: {  	[smem:$0x3FB3] =	sst s7  }
0x10: {  	[smem:$0x3FB4] =	sst s8  }
0x11: {  	[smem:$0x3FB5] =	sst s9;
	s0 =	simm.s32 @!p0 $0x0  }
0x12: {  	s1 =	sld [smem:$0x3F9B];
	s0 =	simm.s32 @p0 $0x1  }
0x13: {  	[smem:$0x3FB6] =	sst s0;
	s0 =	simm.s32 @!p1 $0x0  }
0x14: {  	s2 =	sld [smem:$0x3F9A];
	s0 =	simm.s32 @p1 $0x1  }
0x15: {  	[smem:$0x3FB7] =	sst s0;
	s0 =	simm.s32 @!p2 $0x0  }
0x16: {  	s3 =	sld [smem:$0x3FDB];
	s0 =	simm.s32 @p2 $0x1  }
0x17: {  	s4 =	simm.s32 $0x1BF5;
	[smem:$0x3FB9] =	sst s0  }
0x18: {  	s0 =	sld [smem:$0x3F9C];
	_ =	swait.ge [sflag:s4], $0x0  }
0x19: {  	s7 =	sld [smem:$0x3F9D]  }
0x1a: {  	s8 =	sadd.s32 $0xFFFFE003, lr  }
0x1b: {  	s9 =	sadd.s32 $0xFFFFFEF7, lr;
	s5 =	simm.s32 $0xFFFFFFFF;
	p2 =	slt.u32 s8, $0xFFFFF086  }
0x1c: {  	p1 =	slt.u32 s9, $0xF7A;
	s5 =	simm.s32 @!p2 $0x0  }
0x1d: {  	s5 =	simm.s32 @p1 $0x1;
	p0 =	seq.s32 s7, s2  }
0x1e: {  	s7 =	smul.u32 @!p0 $0xF7A, s2;
	p2 =	seq.s32 @!p0 s5, $0x0  }
0x1f: {  	s9 =	smul.u32 $0xF7A, s1;
	s8 =	simm.s32 @!p0 $0x1BF5;
	p2 =	por !p2, p0  }
0x20: {  	[sflag:s8] =	ssyncset.s32 @!p0 $0xFFFFF086;
	s6 =	sadd.s32 @!p0 s3, s7;
	s7 =	simm.s32 @!p0 $0x108  }
0x21: {  	s3 =	sadd.s32 s3, s9;
	s6 =	sadd.s32 @!p0 $0x88, s6;
	s7 =	simm.s32 @p2 $0x1082  }
0x22: {  	[simem:s7], [sflag:s8] =	dma.local @!p0 [hbm:s6], $0xF7A  }
0x23: {  	s9 =	sor.u32 $0xD0000000, s2;
	s6 =	simm.s32 $0x108;
	_ =	swait.ge @!p0 [sflag:s8], $0x0  }
0x24: {  	s3 =	sadd.s32 $0x88, s3;
	s6 =	simm.s32 @!p1 $0x1082;
	[sflag:s4] =	ssyncset.s32 $0xFFFFF086  }
0x25: {  	[simem:s6], [sflag:s4] =	dma.local [hbm:s3], $0xF7A  }
0x26: {  	[smem:$0x3F9D] =	sst s1;
	(tag) =	ssettag s2;
	_ =	strace s9  }
0x27: {  	s1 =	sld [smem:$0x3FAD]  }
0x28: {  	s2 =	sld [smem:$0x3FAE]  }
0x29: {  	s4 =	sld [smem:$0x3FB0]  }
0x2a: {  	p0 =	seq.s32 s5, $0x0;
	s5 =	sld [smem:$0x3FB1]  }
0x2b: {  	s6 =	sld [smem:$0x3FB2]  }
0x2c: {  	s7 =	sld [smem:$0x3FB3]  }
0x2d: {  	s3 =	simm.s32 $0x108;
	s8 =	sld [smem:$0x3FB4]  }
0x2e: {  	s3 =	simm.s32 @!p0 $0x1082;
	s9 =	sld [smem:$0x3FB5]  }
0x2f: {  	lr =	sadd.s32 s0, s3;
	s0 =	sld [smem:$0x3FAC]  }
0x30: {  	s3 =	sld [smem:$0x3FAF]  }
0x31: {  	[smem:$0x3FB8] =	sst s10  }
0x32: {  	s10 =	sld [smem:$0x3FB6];
	_ =	sdelay $0x3  }
0x33: {  	p0 =	seq.s32 s10, $0x1;
	s10 =	sld [smem:$0x3FB8];
	_ =	sdelay $0x3  }
0x34: {  	[smem:$0x3FB8] =	sst s10  }
0x35: {  	s10 =	sld [smem:$0x3FB7];
	_ =	sdelay $0x3  }
0x36: {  	p1 =	seq.s32 s10, $0x1;
	s10 =	sld [smem:$0x3FB8];
	_ =	sdelay $0x3  }
0x37: {  	[smem:$0x3FB8] =	sst s10  }
0x38: {  	s10 =	sld [smem:$0x3FB9]  }
0x39: {  	_ = 	snop;
	(pc) =	sbr.ind lr, $3  }
0x3a: {  	_ = 	snop  }
0x3b: {  	_ = 	snop  }
0x3c: {  	p2 =	seq.s32 s10, $0x1;
	s10 =	sld [smem:$0x3FB8]  }
0x3d: {  	_ =	shalt  }
0x3e: {  	_ =	shalt  }
0x3f: {  	_ =	shalt  }
0x40: {  	_ =	shalt  }
0x41: {  	_ =	shalt  }
0x42: {  	_ =	shalt  }
0x43: {  	_ =	shalt  }
0x44: {  	_ =	shalt  }
0x45: {  	_ =	shalt  }
0x46: {  	_ =	shalt  }
0x47: {  	_ =	shalt  }
0x48: {  	_ =	shalt  }
0x49: {  	_ =	shalt  }
0x4a: {  	_ =	shalt  }
0x4b: {  	_ =	shalt  }
0x4c: {  	_ =	shalt  }
0x4d: {  	_ =	shalt  }
0x4e: {  	_ =	shalt  }
0x4f: {  	_ =	shalt  }
0x50: {  	_ =	shalt  }
0x51: {  	_ =	shalt  }
0x52: {  	_ =	shalt  }
0x53: {  	_ =	shalt  }
0x54: {  	_ =	shalt  }
0x55: {  	_ =	shalt  }
0x56: {  	_ =	shalt  }
0x57: {  	_ =	shalt  }
0x58: {  	_ =	shalt  }
0x59: {  	_ =	shalt  }
0x5a: {  	_ =	shalt  }
0x5b: {  	_ =	shalt  }
0x5c: {  	_ =	shalt  }
0x5d: {  	_ =	shalt  }
0x5e: {  	_ =	shalt  }
0x5f: {  	_ =	shalt  }
0x60: {  	_ =	shalt  }
0x61: {  	_ =	shalt  }
0x62: {  	_ =	shalt  }
0x63: {  	_ =	shalt  }
0x64: {  	_ =	shalt  }
0x65: {  	_ =	shalt  }
0x66: {  	_ =	shalt  }
0x67: {  	_ =	shalt  }
0x68: {  	_ =	shalt  }
0x69: {  	_ =	shalt  }
0x6a: {  	_ =	shalt  }
0x6b: {  	_ =	shalt  }
0x6c: {  	_ =	shalt  }
0x6d: {  	_ =	shalt  }
0x6e: {  	_ =	shalt  }
0x6f: {  	_ =	shalt  }
0x70: {  	_ =	shalt  }
0x71: {  	_ =	shalt  }
0x72: {  	_ =	shalt  }
0x73: {  	_ =	shalt  }
0x74: {  	_ =	shalt  }
0x75: {  	_ =	shalt  }
0x76: {  	_ =	shalt  }
0x77: {  	_ =	shalt  }
0x78: {  	_ =	shalt  }
0x79: {  	_ =	shalt  }
0x7a: {  	_ =	shalt  }
0x7b: {  	_ =	shalt  }
0x7c: {  	_ =	shalt  }
0x7d: {  	_ =	shalt  }
0x7e: {  	_ =	shalt  }
0x7f: {  	_ =	shalt  }
0x80: {  	_ =	shalt  }
0x81: {  	_ =	shalt  }
0x82: {  	_ =	shalt  }
0x83: {  	_ =	shalt  }
0x84: {  	_ =	shalt  }
0x85: {  	_ =	shalt  }
0x86: {  	_ =	shalt  }
0x87: {  	_ =	shalt  }
.Lfunc_end0:
.L_simem_size_0:
called_computation.1_lowered:
.L_overlay_start_0:
0x88: {  	s2 =	sld [smem:$0x3FD9]  }
0x89: {  	s3 =	sld [smem:$0x3FFE];
	_ =	sdelay $0x1  }
0x8a: {  	s1 =	srdreg.scid  }
0x8b: {  	s0 =	sand.u32 $0x1, s1  }
0x8c: {  	s17 =	sshll.u32 s0, $0xA;
	s2 =	sadd.s32 s3, s2  }
0x8d: {  	s2 =	sadd.s32 s2, s17  }
0x8e: {  	[smem:$0x3FC4] =	sst s2  }
0x8f: {  	_ = 	snop  }
0x90: {  	s2 =	sld [smem:$0x3FD0];
	(tm) =	ssettm $0x1  }
0x91: {  	s18 =	sld [smem:$0x3FFB];
	_ =	sdelay $0x3  }
0x92: {  	_ =	strace s18  }
0x93: {  	s3 =	sld [smem:$0x3FFC];
	_ =	sdelay $0x3  }
0x94: {  	_ =	strace s3  }
0x95: {  	s3 =	sld [smem:$0x3FFD];
	_ =	sdelay $0x3  }
0x96: {  	_ =	strace s3  }
0x97: {  	_ =	strace $0x8FFFFFFF  }
0x98: {  	s19 =	sld [smem:$0x3FDB];
	_ =	sdelay $0x1  }
0x99: {  	s4 =	simm.s32 $_scs_section_size  }
0x9a: {  	s5 =	simm.s32 $_size__tile_overlayer_lowered;
	s6 =	simm.s32 $_tile_overlayer_lowered  }
0x9b: {  	s22 =	simm.s32 $0x1BFF;
	s21 =	sshll.u32 s6, $0x1;
	s3 =	sadd.s32 s4, s19  }
0x9c: {  	s7 =	simm.s32 $0x0;
	s20 =	sshll.u32 s5, $0x1;
	s5 =	sadd.s32 s21, s3  }
0x9d: {  	[timem:s7], [sflag:s22] =	dma.local [hbm:s5], s20  }
0x9e: {  	_ =	swait.ge [sflag:s22], s20  }
0x9f: {  	s4 =	ssub.s32 $0x0, s20;
	[sflag:s22] =	ssyncset.done $0x0  }
0xa0: {  	[sflag:s22] =	ssyncadd.s32 s4;
	_ =	sdelay $0x1  }
0xa1: {  	s23 =	simm.s32 $0x1B8B  }
0xa2: {  	_ =	swait.ge [sflag:s23], $0x1  }
0xa3: {  	[sflag:s23] =	ssyncset.done $0x0  }
0xa4: {  	s25 =	simm.s32 $0x1B8E;
	s24 =	sld [smem:$0x3FFE];
	[sflag:s23] =	ssyncadd.s32 $0xFFFFFFFF  }
0xa5: {  	s26 =	simm.s32 $execute0_lowered;
	[smem:$0x3FD2] =	sst s25  }
0xa6: {  	s5 =	sshll.u32 s26, $0x1;
	_ =	strace $0x80000049;
	[dreg:$0x1] =	wrdreg $0xFFFFFFFF  }
0xa7: {  	s28 =	simm.s32 $_size_execute0_lowered;
	s3 =	sadd.s32 s3, s5;
	[dreg:$0x0] =	wrdreg $0x0  }
0xa8: {  	s5 =	sshll.u32 s28, $0x1;
	[dreg:$0x2] =	wrdreg s3  }
0xa9: {  	[dreg:$0x3] =	wrdreg s5  }
0xaa: {  	[dreg:$0x4] =	wrdreg $0xC0  }
0xab: {  	_ =	task [dreg:s7], $0x5FFFF  }
0xac: {  	[dreg:$0x1] =	wrdreg $0xFFFFFFFF  }
0xad: {  	[dreg:$0x0] =	wrdreg $0x60  }
0xae: {  	[dreg:$0x2] =	wrdreg s2  }
0xaf: {  	[dreg:$0x3] =	wrdreg s24  }
0xb0: {  	[dreg:$0x4] =	wrdreg $0xB0800  }
0xb1: {  	[dreg:$0x5] =	wrdreg $0x1F0800  }
0xb2: {  	[dreg:$0x6] =	wrdreg $0x9  }
0xb3: {  	_ =	task.clear_ibuf [dreg:s7], $0x7FFFF;
	_ =	strace $0x90000049  }
0xb4: {  	s29 =	simm.s32 $0x9;
	_ =	strace $0x8000004B  }
0xb5: {  	_ =	swait.ge [sflag:s29], $0x1  }
0xb6: {  	[sflag:s29] =	ssyncadd.s32 $0xFFFFFFFF  }
0xb7: {  	_ =	strace $0x9000004B  }
0xb8: {  	_ =	sfence  }
0xb9: {  	s30 =	sld [smem:$0x0];
	_ =	sdelay $0x2  }
0xba: {  	s31 =	sshll.u32 s1, $0xD;
	s1 =	sshrl.u32 s1, $0x2  }
0xbb: {  	s3 =	sand.u32 $0x4000, s31;
	s1 =	sadd.s32 s1, s30  }
0xbc: {  	s0 =	sor.u32 s3, s0;
	s1 =	sshll.u32 s1, $0x11  }
0xbd: {  	s0 =	sor.u32 s1, s0  }
0xbe: {  	s0 =	sadd.s32 $0x8F2B, s0  }
0xbf: {  	[sflag:s0] =	ssyncadd.remote.s32 $0x1  }
0xc0: {  	_ =	sfence.sel $0xFFFF  }
0xc1: {  	[dreg:$0x0] =	wrdreg $0xFFFFFFFF;
	(pc) =	sbr.abs _section_cstart, $3  }
0xc2: {  	[dreg:$0x1] =	wrdreg $0xFFFFFFFF  }
0xc3: {  	_ =	task.clear_ibuf [dreg:s7], $0x2FFFF;
	_ =	strace $0x9FFFFFFF  }
0xc4: {  	(tm) =	ssettm $0x7FFFFFFF  }
0xc5: {  	_ =	shalt  }
tec
execute0_lowered:
.L_overlay_start_1:
0x0: {  	(tag) =	ssettag $0x1  }
0x1: {  	s1 =	rddreg [dreg:$0x0]  }
0x2: {  	s7 =	rddreg [dreg:$0x1]  }
0x3: {  	s0 =	srdreg.scid;
	s3 =	rddreg [dreg:$0x2]  }
0x4: {  	s12 =	stileid.u32;
	s4 =	rddreg [dreg:$0x3]  }
0x5: {  	s5 =	simm.s32 $0x0;
	s0 =	sand.u32 $0x1, s0;
	s9 =	smul.u32 $0x14000, s12  }
0x6: {  	s2 =	sshll.u32 s12, $0x1;
	[smem:$0x7FF] =	sst s5;
	s29 =	smul.u32 $0x50000, s12  }
0x7: {  	s12 =	smul.u32 $0x280, s12;
	s24 =	sadd.s32 $0xC800, s7;
	s2 =	sor.u32 s0, s2  }
0x8: {  	s8 =	smul.u32 $0x140000, s0;
	_ =	strace $0x8000004A;
	s11 =	ssub.s32 $0x2, s0  }
0x9: {  	p0 =	seq.s32 s0, $0x1;
	s0 =	simm.s32 $0x66E00;
	s6 =	smul.u32 $0x2800, s2  }
0xa: {  	[dreg:$0x6] =	wrdreg s24;
	s2 =	smul.u32 $0xA, s2;
	s0 =	simm.s32 @!p0 $0x66800  }
0xb: {  	s26 =	sshrl.u32 s12, $0x3;
	s8 =	sadd.s32 s9, s8;
	s9 =	sshrl.u32 s29, $0x2  }
0xc: {  	s0 =	sadd.s32 s0, s7;
	s6 =	sshrl.u32 s6, $0x3;
	[dreg:$0x5] =	wrdreg s2  }
0xd: {  	s0 =	sadd.s32 s0, s26;
	s10 =	sadd.s32 s6, s7;
	s6 =	sadd.s32 s9, s3  }
0xe: {  	[dreg:$0x15] =	wrdreg s0;
	s14 =	sadd.s32 $0x3E80, s6  }
0xf: {  	s28 =	simm.s32 $0x7D;
	s15 =	sadd.s32 $0x7D00, s6;
	[dreg:$0x7] =	wrdreg s14  }
0x10: {  	s13 =	sshrl.u32 s11, $0x1;
	s16 =	sadd.s32 $0xBB80, s6;
	[dreg:$0x8] =	wrdreg s15  }
0x11: {  	s9 =	ssub.s32 s11, s13;
	s17 =	sadd.s32 $0xFA00, s6;
	[dreg:$0x9] =	wrdreg s16  }
0x12: {  	s11 =	sadd.s32 s12, s4;
	s13 =	sadd.s32 $0x13880, s6;
	[dreg:$0xa] =	wrdreg s17  }
0x13: {  	s30 =	simm.s32 $0x7000;
	s18 =	sadd.s32 $0x80, s11;
	[dreg:$0xb] =	wrdreg s13  }
0x14: {  	s31 =	simm.s32 $0xB000;
	s19 =	sadd.s32 $0x100, s11;
	[dreg:$0xc] =	wrdreg s18  }
0x15: {  	s24 =	simm.s32 $0x7;
	s20 =	sadd.s32 $0x180, s11;
	[dreg:$0xd] =	wrdreg s19  }
0x16: {  	s8 =	sshrl.u32 s8, $0x3;
	s21 =	sadd.s32 $0x200, s11;
	[dreg:$0xe] =	wrdreg s20  }
0x17: {  	s2 =	simm.s32 $0x3;
	s22 =	sadd.s32 $0x2800, s10;
	[dreg:$0xf] =	wrdreg s21  }
0x18: {  	s26 =	simm.s32 $0x1;
	s23 =	sadd.s32 $0xC800, s10;
	[dreg:$0x10] =	wrdreg s22  }
0x19: {  	s8 =	sadd.s32 s8, s7;
	s10 =	sadd.s32 $0xC880, s10;
	[dreg:$0x11] =	wrdreg s23  }
0x1a: {  	s0 =	simm.s32 $0x5;
	s25 =	sadd.s32 $0x16800, s8;
	[dreg:$0x12] =	wrdreg s10  }
0x1b: {  	s7 =	simm.s32 $0x4;
	s29 =	smax.u32 s9, $0x1;
	[dreg:$0x13] =	wrdreg s25  }
0x1c: {  	s12 =	simm.s32 $0x0;
	s8 =	simm.s32 $0x2;
	[dreg:$0x14] =	wrdreg s29  }
0x1d: {  	v0 =	vimm.f32 $0.0e+00;
	v1 =	vimm.f32 $1.000000000e+00;
	s23 =	simm.s32 $0x3000;
	s25 =	simm.s32 $0x2800;
	s10 =	simm.s32 $0x2F80  }
.LBB2_1:
0x1e: {  	s13 =	simm.s32 $0x70;
	s14 =	simm.s32 $0x3C0  }
.LBB2_2:
0x1f: {  	p0 =	sne.s32 s14, $0xF9C0;
	[tilespmem:s13+$0x3000] =	vst v0  }
0x20: {  	[tilespmem:s13+$0x2F90] =	vst v0  }
0x21: {  	[tilespmem:s13+$0x2FA0] =	vst v0  }
.Ltmp0:
0x22: {  	[tilespmem:s13+$0x2FB0] =	vst v0;
	(pc) =	sbr.rel @p0 .LBB2_2-.Ltmp0, $4  }
0x23: {  	[tilespmem:s13+$0x2FC0] =	vst v0  }
0x24: {  	[tilespmem:s13+$0x2FD0] =	vst v0  }
0x25: {  	[tilespmem:s13+$0x2FE0] =	vst v0  }
0x26: {  	[tilespmem:s13+$0x2FF0] =	vst v0;
	s13 =	sshra.s32 s14, $0x2;
	s14 =	sadd.s32 $0x200, s14  }
0x27: {  	[tilespmem:s13+$0x3000] =	vst v0  }
0x28: {  	[tilespmem:s13+$0x2F90] =	vst v0  }
0x29: {  	[tilespmem:s13+$0x2FA0] =	vst v0  }
0x2a: {  	[tilespmem:s13+$0x2FB0] =	vst v0  }
0x2b: {  	[tilespmem:s13+$0x2FC0] =	vst v0  }
0x2c: {  	[tilespmem:s13+$0x2FD0] =	vst v0  }
0x2d: {  	[tilespmem:s13+$0x2FE0] =	vst v0  }
0x2e: {  	[tilespmem:s13+$0x2FF0] =	vst v0  }
0x2f: {  	[tilespmem:$0xB000] =	vst v1  }
0x30: {  	[tilespmem:$0xB010] =	vst v1  }
0x31: {  	[tilespmem:$0xB020] =	vst v1  }
0x32: {  	[tilespmem:$0xB030] =	vst v1  }
0x33: {  	[tilespmem:$0xB040] =	vst v1  }
0x34: {  	[tilespmem:$0xB050] =	vst v1  }
0x35: {  	[tilespmem:$0xB060] =	vst v1  }
0x36: {  	[tilespmem:$0xB070] =	vst v1  }
0x37: {  	[spmem:s6] =	stream.linear.scatter [tilespmem:s23], [sflag:$0x7], $0x3E80, $0x38;
	[tilespmem:$0x1F300] =	vst v63  }
0x38: {  	_ =	swait.ge [sflag:s24], $0x3E80  }
0x39: {  	[sflag:s24] =	ssyncset.done $0x0  }
0x3a: {  	s9 =	rddreg [dreg:$0x7];
	[sflag:s24] =	ssyncadd.s32 $0xFFFFC180  }
0x3b: {  	[spmem:s9] =	stream.linear.scatter [tilespmem:s23], [sflag:$0x7], $0x3E80, $0x38;
	[tilespmem:$0x1F300] =	vst v63  }
0x3c: {  	_ =	swait.ge [sflag:s24], $0x3E80  }
0x3d: {  	[sflag:s24] =	ssyncset.done $0x0  }
0x3e: {  	s14 =	rddreg [dreg:$0x8];
	[sflag:s24] =	ssyncadd.s32 $0xFFFFC180  }
0x3f: {  	[spmem:s14] =	stream.linear.scatter [tilespmem:s23], [sflag:$0x7], $0x3E80, $0x38;
	[tilespmem:$0x1F300] =	vst v63  }
0x40: {  	_ =	swait.ge [sflag:s24], $0x3E80  }
0x41: {  	[sflag:s24] =	ssyncset.done $0x0  }
0x42: {  	s15 =	rddreg [dreg:$0x9];
	[sflag:s24] =	ssyncadd.s32 $0xFFFFC180  }
0x43: {  	[spmem:s15] =	stream.linear.scatter [tilespmem:s23], [sflag:$0x7], $0x3E80, $0x38;
	[tilespmem:$0x1F300] =	vst v63  }
0x44: {  	_ =	swait.ge [sflag:s24], $0x3E80  }
0x45: {  	[sflag:s24] =	ssyncset.done $0x0  }
0x46: {  	s16 =	rddreg [dreg:$0xa];
	[sflag:s24] =	ssyncadd.s32 $0xFFFFC180  }
0x47: {  	[spmem:s16] =	stream.linear.scatter [tilespmem:s23], [sflag:$0x7], $0x3E80, $0x38;
	[tilespmem:$0x1F300] =	vst v63  }
0x48: {  	_ =	swait.ge [sflag:s24], $0x3E80  }
0x49: {  	[sflag:s24] =	ssyncset.done $0x0  }
0x4a: {  	s17 =	rddreg [dreg:$0xb];
	[sflag:s24] =	ssyncadd.s32 $0xFFFFC180  }
0x4b: {  	[spmem:s17] =	stream.linear.scatter [tilespmem:s23], [sflag:$0x7], $0x780, $0x38;
	[tilespmem:$0x1F300] =	vst v63  }
0x4c: {  	_ =	swait.ge [sflag:s24], $0x780  }
0x4d: {  	[sflag:s24] =	ssyncset.done $0x0  }
0x4e: {  	[sflag:s24] =	ssyncadd.s32 $0xFFFFF880  }
0x4f: {  	[spmem:s11] =	stream.linear.scatter [tilespmem:s23], [sflag:$0x7], $0x80, $0x38;
	[tilespmem:$0x1F300] =	vst v63  }
0x50: {  	_ =	swait.ge [sflag:s24], $0x80  }
0x51: {  	[sflag:s24] =	ssyncset.done $0x0  }
0x52: {  	s18 =	rddreg [dreg:$0xc];
	[sflag:s24] =	ssyncadd.s32 $0xFFFFFF80  }
0x53: {  	[spmem:s18] =	stream.linear.scatter [tilespmem:s23], [sflag:$0x7], $0x80, $0x38;
	[tilespmem:$0x1F300] =	vst v63  }
0x54: {  	_ =	swait.ge [sflag:s24], $0x80  }
0x55: {  	[sflag:s24] =	ssyncset.done $0x0  }
0x56: {  	s19 =	rddreg [dreg:$0xd];
	[sflag:s24] =	ssyncadd.s32 $0xFFFFFF80  }
0x57: {  	[spmem:s19] =	stream.linear.scatter [tilespmem:s23], [sflag:$0x7], $0x80, $0x38;
	[tilespmem:$0x1F300] =	vst v63  }
0x58: {  	_ =	swait.ge [sflag:s24], $0x80  }
0x59: {  	[sflag:s24] =	ssyncset.done $0x0  }
0x5a: {  	s20 =	rddreg [dreg:$0xe];
	[sflag:s24] =	ssyncadd.s32 $0xFFFFFF80  }
0x5b: {  	[spmem:s20] =	stream.linear.scatter [tilespmem:s23], [sflag:$0x7], $0x80, $0x38;
	[tilespmem:$0x1F300] =	vst v63  }
0x5c: {  	_ =	swait.ge [sflag:s24], $0x80  }
0x5d: {  	[sflag:s24] =	ssyncset.done $0x0  }
0x5e: {  	s21 =	rddreg [dreg:$0xf];
	[sflag:s24] =	ssyncadd.s32 $0xFFFFFF80  }
0x5f: {  	[spmem:s21] =	stream.linear.scatter [tilespmem:s23], [sflag:$0x7], $0x80, $0x38;
	[tilespmem:$0x1F300] =	vst v63  }
0x60: {  	_ =	swait.ge [sflag:s24], $0x80  }
0x61: {  	[sflag:s24] =	ssyncset.done $0x0  }
0x62: {  	s22 =	rddreg [dreg:$0x10];
	[sflag:s24] =	ssyncadd.s32 $0xFFFFFF80  }
0x63: {  	[tilespmem:s5], [sflag:$0x7] =	stream.linear.gather [hbm4b:s22+s5], $0x2800, $0x38;
	[tilespmem:$0x1F300] =	vst v63  }
0x64: {  	_ =	swait.ge [sflag:s24], $0x2800  }
0x65: {  	[sflag:s24] =	ssyncset.done $0x0  }
0x66: {  	s29 =	rddreg [dreg:$0x11];
	[sflag:s24] =	ssyncadd.s32 $0xFFFFD800  }
0x67: {  	[tilespmem:s25], [sflag:$0x7] =	stream.linear.gather [hbm4b:s29+s5], $0x400, $0x38;
	[tilespmem:$0x1F300] =	vst v63  }
0x68: {  	_ =	swait.ge [sflag:s24], $0x400  }
0x69: {  	[sflag:s24] =	ssyncset.done $0x0  }
0x6a: {  	s14 =	simm.s32 $0x2C00;
	s13 =	rddreg [dreg:$0x12];
	[sflag:s24] =	ssyncadd.s32 $0xFFFFFC00  }
0x6b: {  	[tilespmem:s14], [sflag:$0x6] =	stream.linear.gather [hbm4b:s13+s5], $0x400, $0x38;
	[tilespmem:$0x1F300] =	vst v63  }
0x6c: {  	s15 =	simm.s32 $0x1;
	[bflag:$0x0] =	sbarrier.arrive $0xFFFF  }
0x6d: {  	[tilespmem:s23], [sflag:$0x1] =	stream.indirect.gather [hbm4b:s1+s28], $0x80, s5, s28, $0xb8;
	[tilespmem:$0x1F300] =	vst v63  }
0x6e: {  	_ =	swait.ge [sflag:s15], $0x3E80  }
0x6f: {  	[sflag:s15] =	ssyncset.done $0x0  }
0x70: {  	s16 =	simm.s32 $0x80;
	[sflag:s15] =	ssyncadd.s32 $0xFFFFC180  }
0x71: {  	[tilespmem:s30], [sflag:$0x2] =	stream.indirect.gather [hbm4b:s1+s28], $0x80, s16, s28, $0xb8;
	[tilespmem:$0x1F300] =	vst v63  }
0x72: {  	_ = 	snop  }
0x73: {  	[spmem:s3] =	stream.indirect.scatter.add.f32 [tilespmem:s23], [sflag:$0x3], $0x80, s25, s28, $0xb8;
	[tilespmem:$0x1F300] =	vst v63  }
0x74: {  	s13 =	simm.s32 $0x2  }
0x75: {  	[spmem:s4] =	stream.indirect.scatter.add.f32 [tilespmem:s31], [sflag:$0x5], $0x1, s25, s28, $0xb8;
	[tilespmem:$0x1F300] =	vst v63  }
0x76: {  	_ =	swait.ge [sflag:s13], $0x3E80  }
0x77: {  	[sflag:s13] =	ssyncset.done $0x0  }
0x78: {  	[sflag:s13] =	ssyncadd.s32 $0xFFFFC180  }
0x79: {  	_ =	swait.ge [sflag:s2], $0x3E80  }
0x7a: {  	[sflag:s2] =	ssyncset.done $0x0  }
0x7b: {  	[sflag:s2] =	ssyncadd.s32 $0xFFFFC180  }
0x7c: {  	_ =	swait.ge [sflag:s0], $0x7D  }
0x7d: {  	[sflag:s0] =	ssyncset.done $0x0  }
0x7e: {  	s17 =	simm.s32 $0x100;
	[sflag:s0] =	ssyncadd.s32 $0xFFFFFF83  }
0x7f: {  	[tilespmem:s23], [sflag:$0x1] =	stream.indirect.gather [hbm4b:s1+s28], $0x80, s17, s28, $0xb8;
	[tilespmem:$0x1F300] =	vst v63  }
0x80: {  	s18 =	simm.s32 $0x2880  }
0x81: {  	[spmem:s3] =	stream.indirect.scatter.add.f32 [tilespmem:s30], [sflag:$0x4], $0x80, s18, s28, $0xb8;
	[tilespmem:$0x1F300] =	vst v63  }
0x82: {  	_ = 	snop  }
0x83: {  	[spmem:s4] =	stream.indirect.scatter.add.f32 [tilespmem:s31], [sflag:$0x5], $0x1, s18, s28, $0xb8;
	[tilespmem:$0x1F300] =	vst v63  }
0x84: {  	_ =	swait.ge [sflag:s26], $0x3E80  }
0x85: {  	[sflag:s26] =	ssyncset.done $0x0  }
0x86: {  	[sflag:s26] =	ssyncadd.s32 $0xFFFFC180  }
0x87: {  	_ =	swait.ge [sflag:s7], $0x3E80  }
0x88: {  	[sflag:s7] =	ssyncset.done $0x0  }
0x89: {  	[sflag:s7] =	ssyncadd.s32 $0xFFFFC180  }
0x8a: {  	s14 =	sand.u32 $0x6, s13;
	_ =	swait.ge [sflag:s0], $0x7D  }
0x8b: {  	p0 =	sne.s32 s14, $0x0;
	[sflag:s0] =	ssyncset.done $0x0  }
0x8c: {  	p1 =	por @!p0 $0x0, $0x0;
	s15 =	simm.s32 @!p0 $0x6;
	[sflag:s0] =	ssyncadd.s32 $0xFFFFFF83  }
0x8d: {  	p1 =	por p1, p0;
	_ =	swait.ge @!p0 [sflag:s15], $0x400  }
0x8e: {  	s19 =	simm.s32 $0x0;
	s18 =	simm.s32 @!p1 $0x400;
	s16 =	rddreg [dreg:$0x5]  }
0x8f: {  	s17 =	rddreg [dreg:$0x6];
	[sflag:s15] =	ssyncset.done @!p0 $0x0;
	s16 =	sadd.s32 @!p1 $0x1, s16  }
0x90: {  	[sflag:s15] =	ssyncadd.s32 @!p0 $0xFFFFFC00;
	s15 =	sand.u32 @!p1 $0x400, s18;
	s16 =	sshll.u32 @!p1 s16, $0x7  }
0x91: {  	s15 =	sor.u32 @!p1 $0x2800, s15;
	s16 =	sadd.s32 @!p1 s16, s17;
	s17 =	simm.s32 @!p1 $0x0  }
0x92: {  	[tilespmem:s15], [sflag:$0x6] =	stream.linear.gather @!p1 [hbm4b:s16+s17], $0x400, $0x38;
	[tilespmem:$0x1F300] =	vst v63  }
0x93: {  	s14 =	sshll.u32 s14, $0x7;
	s15 =	sand.u32 $0x400, s19  }
0x94: {  	s20 =	simm.s32 $0x180;
	s14 =	sor.u32 s14, s15  }
0x95: {  	[tilespmem:s30], [sflag:$0x2] =	stream.indirect.gather [hbm4b:s1+s28], $0x80, s20, s28, $0xb8;
	[tilespmem:$0x1F300] =	vst v63  }
0x96: {  	s14 =	sor.u32 $0x2800, s14  }
0x97: {  	[spmem:s3] =	stream.indirect.scatter.add.f32 [tilespmem:s23], [sflag:$0x3], $0x80, s14, s28, $0xb8;
	[tilespmem:$0x1F300] =	vst v63  }
0x98: {  	_ = 	snop  }
0x99: {  	[spmem:s4] =	stream.indirect.scatter.add.f32 [tilespmem:s31], [sflag:$0x5], $0x1, s14, s28, $0xb8;
	[tilespmem:$0x1F300] =	vst v63  }
0x9a: {  	_ =	swait.ge [sflag:s8], $0x3E80  }
0x9b: {  	[sflag:s8] =	ssyncset.done $0x0  }
0x9c: {  	[sflag:s8] =	ssyncadd.s32 $0xFFFFC180  }
0x9d: {  	_ =	swait.ge [sflag:s2], $0x3E80  }
0x9e: {  	[sflag:s2] =	ssyncset.done $0x0  }
0x9f: {  	[sflag:s2] =	ssyncadd.s32 $0xFFFFC180  }
0xa0: {  	s21 =	simm.s32 $0x180;
	s22 =	simm.s32 $0x100;
	_ =	swait.ge [sflag:s0], $0x7D  }
0xa1: {  	s29 =	sand.u32 $0x380, s21;
	s15 =	sand.u32 $0x400, s22;
	[sflag:s0] =	ssyncset.done $0x0  }
0xa2: {  	s15 =	sor.u32 s29, s15;
	s14 =	simm.s32 $0x200;
	[sflag:s0] =	ssyncadd.s32 $0xFFFFFF83  }
0xa3: {  	[tilespmem:s23], [sflag:$0x1] =	stream.indirect.gather [hbm4b:s1+s28], $0x80, s14, s28, $0xb8;
	[tilespmem:$0x1F300] =	vst v63  }
0xa4: {  	s16 =	simm.s32 $0x280;
	s17 =	sor.u32 $0x2800, s15;
	s15 =	simm.s32 $0x2  }
0xa5: {  	[spmem:s3] =	stream.indirect.scatter.add.f32 [tilespmem:s30], [sflag:$0x4], $0x80, s17, s28, $0xb8;
	[tilespmem:$0x1F300] =	vst v63  }
.LBB2_4:
0xa6: {  	[spmem:s4] =	stream.indirect.scatter.add.f32 [tilespmem:s31], [sflag:$0x5], $0x1, s17, s28, $0xb8;
	[tilespmem:$0x1F300] =	vst v63  }
0xa7: {  	_ =	swait.ge [sflag:s26], $0x3E80  }
0xa8: {  	[sflag:s26] =	ssyncset.done $0x0  }
0xa9: {  	[sflag:s26] =	ssyncadd.s32 $0xFFFFC180  }
0xaa: {  	_ =	swait.ge [sflag:s7], $0x3E80  }
0xab: {  	s14 =	sadd.s32 $0x100, s14;
	s13 =	sadd.s32 $0x2, s13;
	[sflag:s7] =	ssyncset.done $0x0  }
0xac: {  	s18 =	smov.u32 s15;
	s22 =	sand.u32 $0x6, s13;
	[sflag:s7] =	ssyncadd.s32 $0xFFFFC180  }
0xad: {  	p1 =	sne.s32 s22, $0x0;
	s17 =	sshll.u32 s22, $0x7;
	_ =	swait.ge [sflag:s0], $0x7D  }
0xae: {  	s19 =	simm.s32 @!p1 $0x6;
	p2 =	sgt.u32 @!p1 s18, $0x23;
	[sflag:s0] =	ssyncset.done $0x0  }
0xaf: {  	s18 =	sshrl.u32 s18, $0x2;
	p2 =	por p2, p1;
	[sflag:s0] =	ssyncadd.s32 $0xFFFFFF83  }
0xb0: {  	s21 =	sadd.s32 @!p2 $0x1, s18;
	s18 =	sshll.u32 s18, $0xA;
	_ =	swait.ge @!p1 [sflag:s19], $0x400  }
0xb1: {  	s9 =	simm.s32 @!p2 $0x0;
	s29 =	sshll.u32 @!p2 s21, $0xA;
	s20 =	rddreg [dreg:$0x5]  }
0xb2: {  	s22 =	rddreg [dreg:$0x6];
	[sflag:s19] =	ssyncset.done @!p1 $0x0;
	s20 =	sadd.s32 @!p2 s20, s21  }
0xb3: {  	s21 =	sand.u32 @!p2 $0x400, s29;
	[sflag:s19] =	ssyncadd.s32 @!p1 $0xFFFFFC00;
	s19 =	sshll.u32 @!p2 s20, $0x7  }
0xb4: {  	s18 =	sand.u32 $0x400, s18;
	s20 =	sor.u32 @!p2 $0x2800, s21;
	s19 =	sadd.s32 @!p2 s19, s22  }
0xb5: {  	[tilespmem:s20], [sflag:$0x6] =	stream.linear.gather @!p2 [hbm4b:s19+s9], $0x400, $0x38;
	[tilespmem:$0x1F300] =	vst v63  }
0xb6: {  	s17 =	sor.u32 s17, s18;
	s29 =	sadd.s32 $0xFFFFFF80, s14  }
0xb7: {  	[tilespmem:s30], [sflag:$0x2] =	stream.indirect.gather [hbm4b:s1+s28], $0x80, s29, s28, $0xb8;
	[tilespmem:$0x1F300] =	vst v63  }
0xb8: {  	s21 =	sor.u32 $0x2800, s17  }
0xb9: {  	[spmem:s3] =	stream.indirect.scatter.add.f32 [tilespmem:s23], [sflag:$0x3], $0x80, s21, s28, $0xb8;
	[tilespmem:$0x1F300] =	vst v63  }
0xba: {  	_ = 	snop  }
0xbb: {  	[spmem:s4] =	stream.indirect.scatter.add.f32 [tilespmem:s31], [sflag:$0x5], $0x1, s21, s28, $0xb8;
	[tilespmem:$0x1F300] =	vst v63  }
0xbc: {  	_ =	swait.ge [sflag:s8], $0x3E80  }
0xbd: {  	[sflag:s8] =	ssyncset.done $0x0  }
0xbe: {  	[sflag:s8] =	ssyncadd.s32 $0xFFFFC180  }
0xbf: {  	_ =	swait.ge [sflag:s2], $0x3E80  }
0xc0: {  	[sflag:s2] =	ssyncset.done $0x0  }
0xc1: {  	s15 =	sadd.s32 $0x1, s15;
	s22 =	sadd.s32 $0xFFFFFF80, s16;
	[sflag:s2] =	ssyncadd.s32 $0xFFFFC180  }
0xc2: {  	p0 =	sne.s32 s15, $0x27;
	s9 =	sand.u32 $0x400, s22;
	_ =	swait.ge [sflag:s0], $0x7D  }
.Ltmp1:
0xc3: {  	s29 =	sand.u32 $0x380, s16;
	[sflag:s0] =	ssyncset.done $0x0;
	(pc) =	sbr.rel @p0 .LBB2_4-.Ltmp1, $4  }
0xc4: {  	s9 =	sor.u32 s29, s9;
	[sflag:s0] =	ssyncadd.s32 $0xFFFFFF83  }
0xc5: {  	[tilespmem:s23], [sflag:$0x1] =	stream.indirect.gather [hbm4b:s1+s28], $0x80, s14, s28, $0xb8;
	[tilespmem:$0x1F300] =	vst v63  }
0xc6: {  	s16 =	sadd.s32 $0x100, s16;
	s17 =	sor.u32 $0x2800, s9  }
0xc7: {  	[spmem:s3] =	stream.indirect.scatter.add.f32 [tilespmem:s30], [sflag:$0x4], $0x80, s17, s28, $0xb8;
	[tilespmem:$0x1F300] =	vst v63  }
0xc8: {  	[spmem:s4] =	stream.indirect.scatter.add.f32 [tilespmem:s31], [sflag:$0x5], $0x1, s17, s28, $0xb8;
	[tilespmem:$0x1F300] =	vst v63  }
0xc9: {  	_ =	swait.ge [sflag:s26], $0x3E80  }
0xca: {  	[sflag:s26] =	ssyncset.done $0x0  }
0xcb: {  	[sflag:s26] =	ssyncadd.s32 $0xFFFFC180  }
0xcc: {  	_ =	swait.ge [sflag:s7], $0x3E80  }
0xcd: {  	[sflag:s7] =	ssyncset.done $0x0  }
0xce: {  	[sflag:s7] =	ssyncadd.s32 $0xFFFFC180  }
0xcf: {  	_ =	swait.ge [sflag:s0], $0x7D  }
0xd0: {  	[sflag:s0] =	ssyncset.done $0x0  }
0xd1: {  	s9 =	simm.s32 $0x2780;
	[sflag:s0] =	ssyncadd.s32 $0xFFFFFF83  }
0xd2: {  	[tilespmem:s30], [sflag:$0x2] =	stream.indirect.gather [hbm4b:s1+s28], $0x80, s9, s28, $0xb8;
	[tilespmem:$0x1F300] =	vst v63  }
0xd3: {  	s19 =	simm.s32 $0x2F00  }
0xd4: {  	[spmem:s3] =	stream.indirect.scatter.add.f32 [tilespmem:s23], [sflag:$0x3], $0x80, s19, s28, $0xb8;
	[tilespmem:$0x1F300] =	vst v63  }
0xd5: {  	_ = 	snop  }
0xd6: {  	[spmem:s4] =	stream.indirect.scatter.add.f32 [tilespmem:s31], [sflag:$0x5], $0x1, s19, s28, $0xb8;
	[tilespmem:$0x1F300] =	vst v63  }
0xd7: {  	_ =	swait.ge [sflag:s8], $0x3E80  }
0xd8: {  	[sflag:s8] =	ssyncset.done $0x0  }
0xd9: {  	[sflag:s8] =	ssyncadd.s32 $0xFFFFC180  }
0xda: {  	_ =	swait.ge [sflag:s2], $0x3E80  }
0xdb: {  	[sflag:s2] =	ssyncset.done $0x0  }
0xdc: {  	[sflag:s2] =	ssyncadd.s32 $0xFFFFC180  }
0xdd: {  	_ =	swait.ge [sflag:s0], $0x7D  }
0xde: {  	[sflag:s0] =	ssyncset.done $0x0  }
0xdf: {  	[sflag:s0] =	ssyncadd.s32 $0xFFFFFF83  }
0xe0: {  	[spmem:s3] =	stream.indirect.scatter.add.f32 [tilespmem:s30], [sflag:$0x4], $0x80, s10, s28, $0xb8;
	[tilespmem:$0x1F300] =	vst v63  }
0xe1: {  	_ = 	snop  }
0xe2: {  	[spmem:s4] =	stream.indirect.scatter.add.f32 [tilespmem:s31], [sflag:$0x5], $0x1, s10, s28, $0xb8;
	[tilespmem:$0x1F300] =	vst v63  }
0xe3: {  	_ =	swait.ge [sflag:s7], $0x3E80  }
0xe4: {  	[sflag:s7] =	ssyncset.done $0x0  }
0xe5: {  	[sflag:s7] =	ssyncadd.s32 $0xFFFFC180  }
0xe6: {  	_ =	swait.ge [sflag:s0], $0x7D  }
0xe7: {  	[sflag:s0] =	ssyncset.done $0x0  }
0xe8: {  	s20 =	stileid.u32;
	[sflag:s0] =	ssyncadd.s32 $0xFFFFFF83  }
0xe9: {  	s9 =	sshll.u32 s20, $0x6;
	[bflag:$0x0] =	sbarrier.arrive $0xFFFF  }
0xea: {  	s13 =	sshrl.u32 s6, $0x3;
	s9 =	sor.u32 $0x1C07, s9;
	s14 =	rddreg [dreg:$0x13]  }
0xeb: {  	[hbm:s14], [sflag:s9] =	dma.local [spmem:s13], $0x2800  }
0xec: {  	_ =	swait.ge [sflag:s24], $0x2800  }
0xed: {  	[sflag:s24] =	ssyncset.done $0x0  }
0xee: {  	s21 =	sshrl.u32 s11, $0x3;
	s22 =	rddreg [dreg:$0x15];
	[sflag:s24] =	ssyncadd.s32 $0xFFFFD800  }
0xef: {  	[hbm:s22], [sflag:s9] =	dma.local [spmem:s21], $0x50  }
0xf0: {  	_ =	swait.ge [sflag:s24], $0x50  }
0xf1: {  	s12 =	sadd.s32 $0x1, s12;
	s29 =	rddreg [dreg:$0x14]  }
0xf2: {  	p0 =	sne.s32 s12, s29  }
.Ltmp2:
0xf3: {  	_ = 	snop;
	(pc) =	sbr.rel @p0 .LBB2_1-.Ltmp2, $3  }
0xf4: {  	_ =	sdelay $0x1  }
0xf5: {  	[sflag:s24] =	ssyncset.done $0x0  }
0xf6: {  	[sflag:s24] =	ssyncadd.s32 $0xFFFFFFB0  }
0xf7: {  	_ =	sfence.sel $0x180000  }
0xf8: {  	[bflag:$0x0] =	sbarrier.arrive $0xFFFF  }
0xf9: {  	_ =	strace $0x9000004A  }
0xfa: {  	s0 =	stileid.u32;
	[bflag:$0x2] =	sbarrier.arrive $0xFFFF  }
0xfb: {  	p0 =	sne.s32 s0, $0x0;
	s0 =	rddreg [dreg:$0x4]  }
0xfc: {  	s0 =	sadd.s32 @!p0 $0x100000, s0  }
0xfd: {  	[sflag:s0] =	ssyncadd.tile.s32 @!p0 $0x1;
	_ =	shalt  }
.Lfunc_end2:
_tile_overlayer_lowered:
.L_overlay_start_2:
0xfe: {  	(tag) =	ssettag $0x2  }
0xff: {  	s0 =	rddreg [dreg:$0x0];
	s2 =	stileid.u32  }
0x100: {  	s1 =	rddreg [dreg:$0x1];
	p0 =	sne.s32 s2, $0x0  }
0x101: {  	s3 =	rddreg [dreg:$0x2];
	[bflag:$0x3] =	sbarrier.arrive $0xFFFF;
	s2 =	simm.s32 @!p0 $0x1C07  }
0x102: {  	[timem:s3], [sflag:s2] =	dma.local @!p0 [hbm:s0], s1  }
0x103: {  	s0 =	simm.s32 @!p0 $0x7  }
0x104: {  	_ =	swait.ge @!p0 [sflag:s0], s1  }
0x105: {  	s1 =	ssub.s32 @!p0 $0x0, s1;
	[sflag:s0] =	ssyncset.done @!p0 $0x0  }
0x106: {  	[sflag:s0] =	ssyncadd.s32 @!p0 s1  }
0x107: {  	[bflag:$0x3] =	sbarrier.arrive $0xFFFF  }
0x108: {  	_ =	shalt  }

</sc_bundles>
